<compile_context>
chip_gen: v7x
topology: tpu7x:2x2x1
jax: 0.10.2.dev20260603
libtpu: 0.0.44.dev20260713+nightly
codegen_flags: <defaults>
</compile_context>

<pallas_src>
import functools

import jax
import jax.numpy as jnp
from jax import lax
from jax.experimental import pallas as pl
from jax.experimental.pallas import tpu as pltpu
from jax.experimental.pallas import tpu_sc as plsc

_NC, _NS = 2, 16
_NW = _NC * _NS
_W = 80
_HEADS, _OUT_CH, _ENC = 4, 16, 64


def _leaky(v):
    return jnp.where(v >= 0, v, 0.2 * v)


def _dh(a, b):
    return jnp.dot(a, b, precision=lax.Precision.HIGHEST)


def _sel():
    c = lax.broadcasted_iota(jnp.int32, (_ENC, _HEADS), 0) // _OUT_CH
    h = lax.broadcasted_iota(jnp.int32, (_ENC, _HEADS), 1)
    return (c == h).astype(jnp.float32)


def _full_spec(shape):
    nd = len(shape)
    return pl.BlockSpec(shape, lambda *_: (0,) * nd)


def _tc_node_mlp(x, W1, b1, W2, b2, Wl, bl, Wr, br):
    N, BLK = x.shape[0], 2000

    def body(x_r, W1r, b1r, W2r, b2r, Wlr, blr, Wrr, brr, ne_r, t_r):
        h = jnp.maximum(x_r[...] @ W1r[...] + b1r[...], 0.0)
        ne = h @ W2r[...] + b2r[...]
        ne_r[...] = ne
        t_r[...] = jnp.concatenate(
            [ne @ Wlr[...] + blr[...], ne @ Wrr[...] + brr[...]], axis=1)

    row = lambda i: (i, 0)
    return pl.pallas_call(
        body,
        grid=(N // BLK,),
        in_specs=[pl.BlockSpec((BLK, x.shape[1]), row)] +
                 [_full_spec(w.shape) for w in (W1, b1, W2, b2, Wl, bl, Wr, br)],
        out_specs=[pl.BlockSpec((BLK, _ENC), row),
                   pl.BlockSpec((BLK, 2 * _ENC), row)],
        out_shape=[jax.ShapeDtypeStruct((N, _ENC), jnp.float32),
                   jax.ShapeDtypeStruct((N, 2 * _ENC), jnp.float32)],
    )(x, W1, b1, W2, b2, Wl, bl, Wr, br)


def _tc_edge_mlp_rows(edge_attr, W1, b1, W2, b2):
    E, BLK = edge_attr.shape[0], 8000

    def body(ea_r, W1r, b1r, W2r, b2r, o_r):
        h = jnp.maximum(ea_r[...] @ W1r[...] + b1r[...], 0.0)
        enc = h @ W2r[...] + b2r[...]
        one = jnp.ones((BLK, 1), jnp.float32)
        zero = jnp.zeros((BLK, 2 * _ENC - _ENC - 1), jnp.float32)
        o_r[...] = jnp.concatenate([enc, one, zero], axis=1)

    row = lambda i: (i, 0)
    return pl.pallas_call(
        body,
        grid=(E // BLK,),
        in_specs=[pl.BlockSpec((BLK, edge_attr.shape[1]), row)] +
                 [_full_spec(w.shape) for w in (W1, b1, W2, b2)],
        out_specs=pl.BlockSpec((BLK, 2 * _ENC), row),
        out_shape=jax.ShapeDtypeStruct((E, 2 * _ENC), jnp.float32),
    )(edge_attr, W1, b1, W2, b2)


def _tc_edge_vals(edge_attr, gs, gd, eW1, eb1, eW2, eb2, We, att):
    E, BLK = edge_attr.shape[0], 8000

    def body(ea_r, gs_r, gd_r, W1r, b1r, W2r, b2r, Wer, att_r, o_r):
        S = _sel()
        h = jnp.maximum(ea_r[...] @ W1r[...] + b1r[...], 0.0)
        enc = h @ W2r[...] + b2r[...]
        ee = enc @ Wer[...]
        gxl = gs_r[...][:, :_ENC]
        gxr = gd_r[...][:, _ENC:]
        s = _leaky(gxl + gxr + ee)
        ex = jnp.exp(_dh(s * att_r[...], S))
        exe = _dh(ex, S.T)
        zero = jnp.zeros((BLK, _ENC - _HEADS), jnp.float32)
        o_r[...] = jnp.concatenate([gxl * exe, ex, zero], axis=1)

    row = lambda i: (i, 0)
    return pl.pallas_call(
        body,
        grid=(E // BLK,),
        in_specs=[pl.BlockSpec((BLK, edge_attr.shape[1]), row),
                  pl.BlockSpec((BLK, 2 * _ENC), row),
                  pl.BlockSpec((BLK, 2 * _ENC), row)] +
                 [_full_spec(w.shape) for w in (eW1, eb1, eW2, eb2, We, att)],
        out_specs=pl.BlockSpec((BLK, 2 * _ENC), row),
        out_shape=jax.ShapeDtypeStruct((E, 2 * _ENC), jnp.float32),
    )(edge_attr, gs, gd, eW1, eb1, eW2, eb2, We, att)


def _tc_combine(acc64, den16, loop64, deg16, T, We, att, bias, projs,
                combined):
    N, BLK = acc64.shape[0], 2000
    nproj = len(projs)

    def body(*refs):
        acc_r, den_r, lac_r, deg_r, t_r, Wer, att_r, bias_r = refs[:8]
        proj_r = refs[8:8 + 2 * nproj]
        ne_r = refs[8 + 2 * nproj]
        out_r = refs[9 + 2 * nproj:]
        S = _sel()
        deg = jnp.maximum(deg_r[...][:, 0:1], 1.0)
        loop_attr = lac_r[...] / deg
        eeloop = loop_attr @ Wer[...]
        t = t_r[...]
        xl = t[:, :_ENC]
        s = _leaky(xl + t[:, _ENC:] + eeloop)
        exs = jnp.exp(_dh(s * att_r[...], S))
        exse = _dh(exs, S.T)
        num = acc_r[...][:, :_ENC] + exse * xl
        den = _dh(den_r[...][:, :_HEADS], S.T) + exse
        ne = num / den + bias_r[...]
        ne_r[...] = ne
        if combined:
            out_r[0][...] = jnp.concatenate(
                [ne @ proj_r[0][...] + proj_r[1][...],
                 ne @ proj_r[2][...] + proj_r[3][...]], axis=1)
        else:
            for j in range(nproj):
                out_r[j][...] = ne @ proj_r[2 * j][...] + proj_r[2 * j + 1][...]

    row = lambda i: (i, 0)
    flat_w = [w for pw in projs for w in pw]
    out_ne = jax.ShapeDtypeStruct((N, _ENC), jnp.float32)
    if combined:
        extra_specs = [pl.BlockSpec((BLK, 2 * _ENC), row)]
        extra_shapes = [jax.ShapeDtypeStruct((N, 2 * _ENC), jnp.float32)]
    else:
        extra_specs = [pl.BlockSpec((BLK, _ENC), row)] * nproj
        extra_shapes = [out_ne] * nproj
    return pl.pallas_call(
        body,
        grid=(N // BLK,),
        in_specs=[pl.BlockSpec((BLK, acc64.shape[1]), row),
                  pl.BlockSpec((BLK, 16), row),
                  pl.BlockSpec((BLK, _ENC), row),
                  pl.BlockSpec((BLK, 16), row),
                  pl.BlockSpec((BLK, 2 * _ENC), row)] +
                 [_full_spec(w.shape) for w in (We, att, bias)] +
                 [_full_spec(w.shape) for w in flat_w],
        out_specs=[pl.BlockSpec((BLK, _ENC), row)] + extra_specs,
        out_shape=[out_ne] + extra_shapes,
    )(acc64, den16, loop64, deg16, T, We, att, bias, *flat_w)


def _tc_action(ops, t1e, t1r, t2e, t2r, m,
               aW1, ab1, aW2, ab2, Wl3, bl3, Wr3, br3):
    A = ops.shape[0]

    def body(ops_r, t1e_r, t1r_r, t2e_r, t2r_r, m_r,
             W1r, b1r, W2r, b2r, Wlr, blr, Wrr, brr, xl_r, xr_r):
        keep = 1.0 - m_r[...]
        cat = jnp.concatenate(
            [ops_r[...], t1e_r[...], t1r_r[...],
             keep * t2e_r[...], keep * t2r_r[...]], axis=1)
        h = jnp.maximum(cat @ W1r[...] + b1r[...], 0.0)
        ae = h @ W2r[...] + b2r[...]
        xl_r[...] = ae @ Wlr[...] + blr[...]
        xr_r[...] = ae @ Wrr[...] + brr[...]

    args = (ops, t1e, t1r, t2e, t2r, m, aW1, ab1, aW2, ab2, Wl3, bl3, Wr3, br3)
    out = jax.ShapeDtypeStruct((A, _ENC), jnp.float32)
    return pl.pallas_call(
        body,
        in_specs=[_full_spec(a.shape) for a in args],
        out_specs=[_full_spec((A, _ENC))] * 2,
        out_shape=[out, out],
    )(*args)


def _tc_graph_attn(xl3n_pad, xl3a, xr3a, att, bias, oW1, ob1, oW2, ob2,
                   nodes_per_graph):
    G, P = xl3n_pad.shape[0], xl3n_pad.shape[1]
    C = xl3a.shape[1]

    def body(x3_r, xla_r, xra_r, att_r, bias_r, W1r, b1r, W2r, b2r, o_r):
        S = _sel()
        x3 = x3_r[0]
        valid = lax.broadcasted_iota(jnp.int32, (P, _HEADS), 0) < nodes_per_graph
        xla = xla_r[0]
        xra = xra_r[0]
        att = att_r[...]
        for c in range(C):
            q = xra[c:c + 1, :]
            e = _leaky(x3 + q)
            ex = jnp.exp(_dh(e * att, S))
            ex = jnp.where(valid, ex, 0.0)
            Pm = lax.dot_general(ex, x3, (((0,), (0,)), ((), ())),
                                 precision=lax.Precision.HIGHEST)
            es = _leaky(xla[c:c + 1, :] + q)
            exs = jnp.exp(_dh(es * att, S))
            num = jnp.sum(Pm * S.T, axis=0, keepdims=True) \
                + _dh(exs, S.T) * xla[c:c + 1, :]
            den = _dh(jnp.sum(ex, axis=0, keepdims=True) + exs, S.T)
            r = num / den + bias_r[...]
            h = jnp.maximum(r @ W1r[...] + b1r[...], 0.0)
            o = h @ W2r[...] + b2r[...]
            o_r[0, c:c + 1, :] = o

    g3 = lambda g: (g, 0, 0)
    return pl.pallas_call(
        body,
        grid=(G,),
        in_specs=[pl.BlockSpec((1, P, _ENC), g3),
                  pl.BlockSpec((1, C, _ENC), g3),
                  pl.BlockSpec((1, C, _ENC), g3)] +
                 [_full_spec(w.shape) for w in (att, bias, oW1, ob1, oW2, ob2)],
        out_specs=pl.BlockSpec((1, C, 1), g3),
        out_shape=jax.ShapeDtypeStruct((G, C, 1), jnp.float32),
    )(xl3n_pad, xl3a, xr3a, att, bias, oW1, ob1, oW2, ob2)


@functools.partial(jax.jit, static_argnums=(4, 5))
def _sc_gather2(idxa, idxb, tbl_a, tbl_b, wa, wb):
    E = idxa.shape[0]
    per = E // _NW
    CH = 128 if per >= 128 else per
    if per % 200 == 0 and (wa + wb) <= 160:
        CH = 200
    nf, rem = divmod(per, CH)

    def subs_of(n):
        out, o = [], 0
        while o < n:
            out.append((o, min(128, n - o)))
            o += min(128, n - o)
        return out

    subs = subs_of(CH)
    mesh = plsc.VectorSubcoreMesh(core_axis_name="c", subcore_axis_name="s")

    scratch = [
        pltpu.VMEM((per,), jnp.int32), pltpu.VMEM((per,), jnp.int32),
        pltpu.VMEM((CH, wa), jnp.float32), pltpu.VMEM((CH, wa), jnp.float32),
        pltpu.VMEM((CH, wb), jnp.float32), pltpu.VMEM((CH, wb), jnp.float32),
        pltpu.SemaphoreType.DMA, pltpu.SemaphoreType.DMA,
        pltpu.SemaphoreType.DMA, pltpu.SemaphoreType.DMA,
        pltpu.SemaphoreType.DMA, pltpu.SemaphoreType.DMA,
        pltpu.SemaphoreType.DMA, pltpu.SemaphoreType.DMA,
    ]

    @functools.partial(
        pl.kernel, mesh=mesh,
        out_type=[jax.ShapeDtypeStruct((E, wa), jnp.float32),
                  jax.ShapeDtypeStruct((E, wb), jnp.float32)],
        compiler_params=pltpu.CompilerParams(use_tc_tiling_on_sc=False),
        scratch_types=scratch)
    def k(ia_h, ib_h, ta_h, tb_h, oa_h, ob_h, ia, ib,
          ba0, ba1, bb0, bb1, ga0, ga1, gb0, gb1, sa0, sa1, sb0, sb1):
        wid = lax.axis_index("s") * _NC + lax.axis_index("c")
        base0 = wid * per
        pltpu.sync_copy(ia_h.at[pl.ds(base0, per)], ia)
        pltpu.sync_copy(ib_h.at[pl.ds(base0, per)], ib)
        ba = (ba0, ba1)
        bb = (bb0, bb1)
        gsem = ((ga0, gb0), (ga1, gb1))
        ssem = ((sa0, sb0), (sa1, sb1))

        def issue(g, b, n):
            for (so, sl) in subs_of(n):
                pltpu.async_copy(ta_h.at[ia.at[pl.ds(g * CH + so, sl)]],
                                 ba[b].at[pl.ds(so, sl)], gsem[b][0])
                pltpu.async_copy(tb_h.at[ib.at[pl.ds(g * CH + so, sl)]],
                                 bb[b].at[pl.ds(so, sl)], gsem[b][1])

        def drain(g, b, n):
            pltpu.make_async_copy(ta_h.at[pl.ds(0, n)],
                                  ba[b].at[pl.ds(0, n)], gsem[b][0]).wait()
            pltpu.make_async_copy(tb_h.at[pl.ds(0, n)],
                                  bb[b].at[pl.ds(0, n)], gsem[b][1]).wait()
            pltpu.async_copy(ba[b].at[pl.ds(0, n)],
                             oa_h.at[pl.ds(base0 + g * CH, n)], ssem[b][0])
            pltpu.async_copy(bb[b].at[pl.ds(0, n)],
                             ob_h.at[pl.ds(base0 + g * CH, n)], ssem[b][1])

        def wait_store(b, n):
            pltpu.make_async_copy(ta_h.at[pl.ds(0, n)],
                                  ba[b].at[pl.ds(0, n)], ssem[b][0]).wait()
            pltpu.make_async_copy(tb_h.at[pl.ds(0, n)],
                                  bb[b].at[pl.ds(0, n)], ssem[b][1]).wait()

        issue(0, 0, CH)

        def pair_body(i, _):
            g = i * 2
            issue(g + 1, 1, CH)
            drain(g, 0, CH)
            wait_store(0, CH)

            @pl.when(g + 2 < nf)
            def _():
                issue(g + 2, 0, CH)
            drain(g + 1, 1, CH)
            wait_store(1, CH)
            return 0

        lax.fori_loop(0, nf // 2, pair_body, 0)
        if nf % 2:
            g = nf - 1
            drain(g, 0, CH)
            wait_store(0, CH)
        if rem:
            for (so, sl) in subs_of(rem):
                pltpu.async_copy(ta_h.at[ia.at[pl.ds(nf * CH + so, sl)]],
                                 ba[0].at[pl.ds(so, sl)], gsem[0][0])
                pltpu.async_copy(tb_h.at[ib.at[pl.ds(nf * CH + so, sl)]],
                                 bb[0].at[pl.ds(so, sl)], gsem[0][1])
            drain(nf, 0, rem)
            wait_store(0, rem)

    return k(idxa, idxb, tbl_a, tbl_b)


def _sc_scatter_rows(vals, dst, n_out, w, col_off=0):
    E = dst.shape[0]
    count_mode = vals is None
    nhalf = n_out // 2
    rows = nhalf + _NS
    rows += (-rows) % _NS
    ptr_rows = rows // _NS
    last = nhalf - (_NS - 1) * ptr_rows
    per = E // _NS
    CH = 80 if w >= 64 else 400
    assert per % CH == 0
    nf = per // CH
    subs = []
    o = 0
    while o < CH:
        subs.append((o, min(128, CH - o)))
        o += min(128, CH - o)
    nz_f, nz_r = divmod(ptr_rows, CH)
    mesh = plsc.VectorSubcoreMesh(core_axis_name="c", subcore_axis_name="s")

    scratch = [
        pltpu.VMEM((CH, w), jnp.float32), pltpu.VMEM((CH, w), jnp.float32),
        pltpu.VMEM((CH,), jnp.int32), pltpu.VMEM((CH,), jnp.int32),
        pltpu.SemaphoreType.DMA, pltpu.SemaphoreType.DMA,
        pltpu.SemaphoreType.DMA, pltpu.SemaphoreType.DMA,
        pltpu.SemaphoreType.DMA, pltpu.SemaphoreType.DMA,
        pltpu.VMEM_SHARED((rows, w), jnp.float32),
    ] + [pltpu.VMEM((sl,), jnp.int32) for _, sl in subs] * 2

    def k(*refs):
        if count_mode:
            dst_h, out_h = refs[:2]
            vals_h = None
            rest = refs[2:]
        else:
            vals_h, dst_h, out_h = refs[:3]
            rest = refs[3:]
        (vb0, vb1, db0, db1,
         lv0, lv1, dv0, dv1, sc0, sc1, acc) = rest[:11]
        lbf = rest[11:]
        lb = (lbf[:len(subs)], lbf[len(subs):])
        vb, db = (vb0, vb1), (db0, db1)
        lsem, dsem, csem = (lv0, lv1), (dv0, dv1), (sc0, sc1)
        cid = lax.axis_index("c")
        sid = lax.axis_index("s")
        sc_base = cid * nhalf

        zbuf = vb[1] if count_mode else vb[0]

        def zrow(i, _):
            for j in range(w // 16):
                zbuf[i, pl.ds(j * 16, 16)] = jnp.zeros((16,), jnp.float32)
                if count_mode:
                    onehot = jnp.where(
                        lax.iota(jnp.int32, 16) == j * 16, 1.0, 0.0)
                    vb[0][i, pl.ds(j * 16, 16)] = onehot
            return 0
        lax.fori_loop(0, CH, zrow, 0)
        r0 = sid * ptr_rows

        def zacc(i, _):
            pltpu.sync_copy(zbuf, acc.at[pl.ds(r0 + i * CH, CH)])
            return 0
        lax.fori_loop(0, nz_f, zacc, 0)
        if nz_r:
            pltpu.sync_copy(zbuf.at[pl.ds(0, nz_r)],
                            acc.at[pl.ds(r0 + nz_f * CH, nz_r)])
        plsc.subcore_barrier()

        base0 = sid * per

        def issue_load(g, b):
            if not count_mode:
                pltpu.async_copy(
                    vals_h.at[pl.ds(base0 + g * CH, CH), pl.ds(col_off, w)],
                    vb[b], lsem[b])
            pltpu.async_copy(dst_h.at[pl.ds(base0 + g * CH, CH)],
                             db[b], dsem[b])

        def wait_load(b):
            if not count_mode:
                pltpu.make_async_copy(
                    vals_h.at[pl.ds(0, CH), pl.ds(col_off, w)], vb[b],
                    lsem[b]).wait()
            pltpu.make_async_copy(dst_h.at[pl.ds(0, CH)], db[b],
                                  dsem[b]).wait()

        def localize(b):
            for si, (so, sl) in enumerate(subs):
                for j in range(sl // 16):
                    d = db[b][pl.ds(so + j * 16, 16)]
                    lo = d - sc_base
                    ok = (lo >= 0) & (lo < nhalf)
                    lb[b][si][pl.ds(j * 16, 16)] = jnp.where(ok, lo, nhalf)

        def issue_scatter(b):
            src = vb[0] if count_mode else vb[b]
            for si, (so, sl) in enumerate(subs):
                pltpu.async_copy(src.at[pl.ds(so, sl)], acc.at[lb[b][si]],
                                 csem[b], add=True)

        def wait_scatter(b):
            dummy = out_h.at[pl.ds(0, CH)] if count_mode \
                else vals_h.at[pl.ds(0, CH), pl.ds(col_off, w)]
            pltpu.make_async_copy(dummy, vb[1] if count_mode else vb[b],
                                  csem[b]).wait()

        issue_load(0, 0)

        def pair_body(i, _):
            g = i * 2

            @pl.when(i > 0)
            def _():
                wait_scatter(1)
            issue_load(g + 1, 1)
            wait_load(0)
            localize(0)
            issue_scatter(0)

            @pl.when(g + 2 < nf)
            def _():
                wait_scatter(0)
                issue_load(g + 2, 0)
            wait_load(1)
            localize(1)
            issue_scatter(1)
            return 0

        lax.fori_loop(0, nf // 2, pair_body, 0)
        if nf % 2:
            wait_load(0)
            localize(0)
            issue_scatter(0)
        wait_scatter(0)
        if nf > 1:
            wait_scatter(1)

        plsc.subcore_barrier()

        @pl.when(sid < _NS - 1)
        def _():
            pltpu.sync_copy(acc.at[pl.ds(r0, ptr_rows)],
                            out_h.at[pl.ds(sc_base + r0, ptr_rows)])

        @pl.when(sid == _NS - 1)
        def _():
            pltpu.sync_copy(acc.at[pl.ds(r0, last)],
                            out_h.at[pl.ds(sc_base + r0, last)])

    kk = pl.kernel(
        k, mesh=mesh,
        out_type=jax.ShapeDtypeStruct((n_out, w), jnp.float32),
        compiler_params=pltpu.CompilerParams(use_tc_tiling_on_sc=False),
        scratch_types=scratch)
    return kk(dst) if count_mode else kk(vals, dst)


def kernel(x, edge_attr, ops, params, edge_index, t1_index, t2_index,
           num_ops, node_count, ptr, num_nodes):
    n = x.shape[0]
    n_graphs = ptr.shape[0]
    n_actions = ops.shape[0]
    copies = n_actions // n_graphs
    npg = n // n_graphs

    r2 = lambda b: b.reshape(1, -1)
    nW1, nb1, nW2, nb2 = params['node']
    eW1, eb1, eW2, eb2 = params['edge']
    g1, g2, g3 = params['g1'], params['g2'], params['g3']
    aW1, ab1, aW2, ab2 = params['act']
    oW1, ob1, oW2, ob2 = params['out']
    att1, att2, att3 = (g['att'].reshape(1, _ENC) for g in (g1, g2, g3))

    src, dst = edge_index[0], edge_index[1]

    ne1, T1 = _tc_node_mlp(x, nW1, r2(nb1), nW2, r2(nb2),
                           g1['Wl'], r2(g1['bl']), g1['Wr'], r2(g1['br']))
    loop_rows = _tc_edge_mlp_rows(edge_attr, eW1, r2(eb1), eW2, r2(eb2))
    loop64 = _sc_scatter_rows(loop_rows, dst, n, _ENC)
    deg16 = _sc_scatter_rows(None, dst, n, 16)

    gs1, gd1 = _sc_gather2(src, dst, T1, T1, 2 * _ENC, 2 * _ENC)
    vals1 = _tc_edge_vals(edge_attr, gs1, gd1, eW1, r2(eb1), eW2, r2(eb2),
                          g1['We'], att1)
    acc1 = _sc_scatter_rows(vals1, dst, n, _ENC)
    den1 = _sc_scatter_rows(vals1, dst, n, 16, col_off=_ENC)
    _, T2 = _tc_combine(
        acc1, den1, loop64, deg16, T1, g1['We'], att1, r2(g1['bias']),
        [(g2['Wl'], r2(g2['bl'])), (g2['Wr'], r2(g2['br']))],
        combined=True)

    gs2, gd2 = _sc_gather2(src, dst, T2, T2, 2 * _ENC, 2 * _ENC)
    vals2 = _tc_edge_vals(edge_attr, gs2, gd2, eW1, r2(eb1), eW2, r2(eb2),
                          g2['We'], att2)
    acc2 = _sc_scatter_rows(vals2, dst, n, _ENC)
    den2 = _sc_scatter_rows(vals2, dst, n, 16, col_off=_ENC)
    nef, xl3n = _tc_combine(
        acc2, den2, loop64, deg16, T2, g2['We'], att2, r2(g2['bias']),
        [(g3['Wl'], r2(g3['bl']))], combined=False)

    t2c = jnp.maximum(t2_index, 0)
    pad = jnp.zeros((8 * _NW - 2 * n_actions,), jnp.int32)
    idxcat = jnp.concatenate([t1_index, t2c, pad])
    g_enc, g_res = _sc_gather2(idxcat, idxcat, nef, x, _ENC, x.shape[1])
    m = (t2_index == -1).astype(jnp.float32).reshape(n_actions, 1)
    xl3a, xr3a = _tc_action(
        ops, g_enc[:n_actions], g_res[:n_actions],
        g_enc[n_actions:2 * n_actions], g_res[n_actions:2 * n_actions], m,
        aW1, r2(ab1), aW2, r2(ab2),
        g3['Wl'], r2(g3['bl']), g3['Wr'], r2(g3['br']))

    pad_rows = (-npg) % 128
    xl3n_pad = jnp.pad(xl3n.reshape(n_graphs, npg, _ENC),
                       ((0, 0), (0, pad_rows), (0, 0)))
    out = _tc_graph_attn(xl3n_pad,
                         xl3a.reshape(n_graphs, copies, _ENC),
                         xr3a.reshape(n_graphs, copies, _ENC),
                         att3, r2(g3['bias']), oW1, r2(ob1), oW2, r2(ob2),
                         npg)
    return out.reshape(n_actions, 1)

# --- scband reference (transcript-rebuilt; emitter-appended) ---
"""Pipeline reference for scband-attention-policy-48739288875431 (READ-ONLY COPY).

The authoritative reference and input builder live on the scoring server;
editing this copy changes nothing except your own understanding.
"""

import jax
import jax.numpy as jnp
import numpy as np

N_NODES = 50000
N_EDGES = 800000
N_GRAPHS = 8
NODES_PER_GRAPH = 6250
COPIES = 4
N_ACTIONS = N_GRAPHS * COPIES
NODE_DIM = 16
EDGE_DIM = 16
ACTION_DIM = 8
ENC = 64
HEADS = 4
OUT_CH = ENC // HEADS


def _lin(k, fan_in, fan_out):
    return jax.random.normal(k, (fan_in, fan_out), jnp.float32) * (1.0 / np.sqrt(fan_in))


def setup_inputs(seed: int = 0):
    key = jax.random.key(seed)
    ks = jax.random.split(key, 8)
    x = jax.random.normal(ks[0], (N_NODES, NODE_DIM), jnp.float32)
    edge_index = jax.random.randint(ks[1], (2, N_EDGES), 0, N_NODES, jnp.int32)
    edge_attr = jax.random.normal(ks[2], (N_EDGES, EDGE_DIM), jnp.float32)
    ops = jax.random.normal(ks[3], (N_ACTIONS, ACTION_DIM), jnp.float32)
    t1_index = jax.random.randint(ks[4], (N_ACTIONS,), 0, N_NODES, jnp.int32)
    t2_index = jax.random.randint(ks[5], (N_ACTIONS,), 0, N_NODES, jnp.int32)
    t2_index = t2_index.at[::5].set(-1)
    num_ops = jnp.full((N_GRAPHS,), COPIES, jnp.int32)
    node_count = jnp.full((N_GRAPHS,), NODES_PER_GRAPH, jnp.int32)
    ptr = jnp.arange(N_GRAPHS, dtype=jnp.int32) * NODES_PER_GRAPH

    def mlp_p(k, din):
        k1, k2 = jax.random.split(k)
        return (_lin(k1, din, ENC), jnp.zeros((ENC,), jnp.float32), _lin(k2, ENC, ENC), jnp.zeros((ENC,), jnp.float32))

    def gat_p(k, edge):
        kk = jax.random.split(k, 4)
        p = {'Wl': _lin(kk[0], ENC, HEADS * OUT_CH), 'bl': jnp.zeros((HEADS * OUT_CH,), jnp.float32),
             'Wr': _lin(kk[1], ENC, HEADS * OUT_CH), 'br': jnp.zeros((HEADS * OUT_CH,), jnp.float32),
             'att': jax.random.normal(kk[2], (HEADS, OUT_CH), jnp.float32) * 0.1,
             'bias': jnp.zeros((HEADS * OUT_CH,), jnp.float32)}
        if edge:
            p['We'] = _lin(kk[3], ENC, HEADS * OUT_CH)
        return p

    k6 = jax.random.split(ks[6], 8)
    params = {
        'node': mlp_p(k6[0], NODE_DIM),
        'edge': mlp_p(k6[1], EDGE_DIM),
        'g1': gat_p(k6[2], True),
        'g2': gat_p(k6[3], True),
        'act': mlp_p(k6[4], ACTION_DIM + 2 * ENC + 2 * NODE_DIM),
        'g3': gat_p(k6[5], False),
        'out': (_lin(k6[6], ENC, 16), jnp.zeros((16,), jnp.float32), _lin(k6[7], 16, 1), jnp.zeros((1,), jnp.float32)),
    }
    return {'x': x, 'edge_attr': edge_attr, 'ops': ops, 'params': params,
            'edge_index': edge_index, 't1_index': t1_index, 't2_index': t2_index,
            'num_ops': num_ops, 'node_count': node_count, 'ptr': ptr, 'num_nodes': N_NODES}


def _mlp(x, p):
    W1, b1, W2, b2 = p
    return jax.nn.relu(x @ W1 + b1) @ W2 + b2


def _gatv2(x, edge_index, p, n, edge_attr=None):
    # Faithful PyG GATv2Conv: add_self_loops=True, fill_value='mean', concat heads, LeakyReLU(0.2)
    src = edge_index[0]
    dst = edge_index[1]
    if edge_attr is not None:
        deg = jax.ops.segment_sum(jnp.ones(src.shape[0], jnp.float32), dst, n)
        loop_attr = jax.ops.segment_sum(edge_attr, dst, n) / jnp.maximum(deg, 1.0)[:, None]
        edge_attr = jnp.concatenate([edge_attr, loop_attr], 0)
    loop = jnp.arange(n, dtype=src.dtype)
    src = jnp.concatenate([src, loop])
    dst = jnp.concatenate([dst, loop])
    x_l = (x @ p['Wl'] + p['bl']).reshape(n, HEADS, OUT_CH)
    x_r = (x @ p['Wr'] + p['br']).reshape(n, HEADS, OUT_CH)
    e = x_l[src] + x_r[dst]
    if edge_attr is not None:
        e = e + (edge_attr @ p['We']).reshape(-1, HEADS, OUT_CH)
    e = jax.nn.leaky_relu(e, 0.2)
    alpha = jnp.sum(e * p['att'][None], axis=-1)
    amax = jax.ops.segment_max(alpha, dst, n)
    amax = jnp.where(jnp.isfinite(amax), amax, 0.0)
    ex = jnp.exp(alpha - amax[dst])
    denom = jax.ops.segment_sum(ex, dst, n)
    alpha = ex / (denom[dst] + 1e-16)
    out = jax.ops.segment_sum(x_l[src] * alpha[..., None], dst, n)
    return out.reshape(n, HEADS * OUT_CH) + p['bias']


def _build_attention_edges(num_ops, node_count, ptr, num_nodes):
    n_graphs = num_ops.shape[0]
    nn = NODES_PER_GRAPH
    nc = N_ACTIONS // n_graphs
    base = jnp.minimum(jnp.arange(nn, dtype=jnp.int32)[None, :], node_count[:, None] - 1)
    starts = jnp.broadcast_to(
        (ptr[:, None] + base)[:, None, :], (n_graphs, nc, nn)
    ).reshape(-1)
    csum = jnp.concatenate(
        [jnp.zeros((1,), jnp.int32), jnp.cumsum(num_ops)[:-1].astype(jnp.int32)]
    )
    ends = jnp.broadcast_to(
        (csum[:, None] + jnp.arange(nc, dtype=jnp.int32)[None, :] + num_nodes)[:, :, None],
        (n_graphs, nc, nn),
    ).reshape(-1)
    return jnp.stack([starts, ends]).astype(jnp.int32)


def _forward(x, edge_attr, ops, params, edge_index, t1_index, t2_index, attention_edges, num_nodes):
    n_static = x.shape[0]
    node_enc = _mlp(x, params['node'])
    edge_enc = _mlp(edge_attr, params['edge'])
    node_enc = _gatv2(node_enc, edge_index, params['g1'], n_static, edge_enc)
    node_enc = _gatv2(node_enc, edge_index, params['g2'], n_static, edge_enc)
    mask = (t2_index == -1)[:, None]
    t1_enc = node_enc[t1_index]
    t2_enc = jnp.where(mask, 0.0, node_enc[t2_index])
    t1_res = x[t1_index]
    t2_res = jnp.where(mask, 0.0, x[t2_index])
    action_enc = _mlp(jnp.concatenate([ops, t1_enc, t1_res, t2_enc, t2_res], axis=1), params['act'])
    total = n_static + action_enc.shape[0]
    stacked = jnp.concatenate([node_enc, action_enc], 0)
    attended = _gatv2(stacked, attention_edges, params['g3'], total, None)[n_static:]
    return _mlp(attended, params['out'])


def reference(x, edge_attr, ops, params, edge_index, t1_index, t2_index, num_ops, node_count, ptr, num_nodes):
    attention_edges = _build_attention_edges(num_ops, node_count, ptr, num_nodes)
    return _forward(x, edge_attr, ops, params, edge_index, t1_index, t2_index, attention_edges, num_nodes)

if __name__ == "__main__":
    import jax
    _d = setup_inputs()
    print(jax.jit(kernel)(*tuple(_d.values())))

</pallas_src>

<mosaic_0001>
#map = affine_map<(d0, d1) -> (0)>
#map1 = affine_map<(d0, d1) -> (0, 0)>
module attributes {stable_mosaic.version = 14 : i64} {
  func.func @k(%arg0: i32, %arg1: i32, %arg2: memref<800000xi32, #tpu.memory_space<hbm>>, %arg3: memref<800000xi32, #tpu.memory_space<hbm>>, %arg4: memref<50000x128xf32, #tpu.memory_space<hbm>>, %arg5: memref<50000x128xf32, #tpu.memory_space<hbm>>, %arg6: memref<800000x128xf32, #tpu.memory_space<hbm>>, %arg7: memref<800000x128xf32, #tpu.memory_space<hbm>>, %arg8: memref<25000xi32, #tpu.memory_space<vmem>>, %arg9: memref<25000xi32, #tpu.memory_space<vmem>>, %arg10: memref<128x128xf32, #tpu.memory_space<vmem>>, %arg11: memref<128x128xf32, #tpu.memory_space<vmem>>, %arg12: memref<128x128xf32, #tpu.memory_space<vmem>>, %arg13: memref<128x128xf32, #tpu.memory_space<vmem>>, %arg14: memref<!tpu.dma_semaphore, #tpu.memory_space<semaphore_mem>>, %arg15: memref<!tpu.dma_semaphore, #tpu.memory_space<semaphore_mem>>, %arg16: memref<!tpu.dma_semaphore, #tpu.memory_space<semaphore_mem>>, %arg17: memref<!tpu.dma_semaphore, #tpu.memory_space<semaphore_mem>>, %arg18: memref<!tpu.dma_semaphore, #tpu.memory_space<semaphore_mem>>, %arg19: memref<!tpu.dma_semaphore, #tpu.memory_space<semaphore_mem>>, %arg20: memref<!tpu.dma_semaphore, #tpu.memory_space<semaphore_mem>>, %arg21: memref<!tpu.dma_semaphore, #tpu.memory_space<semaphore_mem>>) attributes {dimension_semantics = [#tpu.dimension_semantics<core_parallel>, #tpu.dimension_semantics<subcore_parallel>], iteration_bounds = array<i64: 2, 16>, scalar_prefetch = 0 : i64, scratch_operands = 14 : i64, tpu.core_type = #tpu.core_type<sc_vector_subcore>, window_params = [{transform_indices = #map}, {transform_indices = #map}, {transform_indices = #map1}, {transform_indices = #map1}, {transform_indices = #map1}, {transform_indices = #map1}]} {
    %mul3A = arith.constant 2 : i32
    %mul3A_0 = arith.muli %arg1, %mul3A : i32
    %add3A = arith.addi %mul3A_0, %arg0 : i32
    %mul3A_1 = arith.constant 25000 : i32
    %mul3A_2 = arith.muli %add3A, %mul3A_1 : i32
    "tpu.region"() ({
      %run_scoped3A = tpu.sem_alloc : memref<!tpu.dma_semaphore, #tpu.memory_space<semaphore_mem>>
      %dma_start3A_183 = tpu.memref_slice %arg2[%mul3A_2] : memref<800000xi32, #tpu.memory_space<hbm>> -> memref<25000xi32, #tpu.memory_space<hbm>>
      %dma_start3A_184 = tpu.memref_slice %arg2[%mul3A_2] : memref<800000xi32, #tpu.memory_space<hbm>> -> memref<25000xi32, #tpu.memory_space<hbm>>
      tpu.enqueue_dma source(%dma_start3A_184 : memref<25000xi32, #tpu.memory_space<hbm>>) target(%arg8 : memref<25000xi32, #tpu.memory_space<vmem>>) target_semaphore(%run_scoped3A : memref<!tpu.dma_semaphore, #tpu.memory_space<semaphore_mem>>)
      %dma_wait3A_185 = tpu.memref_slice %arg2[%mul3A_2] : memref<800000xi32, #tpu.memory_space<hbm>> -> memref<25000xi32, #tpu.memory_space<hbm>>
      %dma_wait3A_186 = tpu.memref_slice %arg2[%mul3A_2] : memref<800000xi32, #tpu.memory_space<hbm>> -> memref<25000xi32, #tpu.memory_space<hbm>>
      tpu.wait_dma2 semaphore(%run_scoped3A : memref<!tpu.dma_semaphore, #tpu.memory_space<semaphore_mem>>) src(%dma_wait3A_186 : memref<25000xi32, #tpu.memory_space<hbm>>) dst(%arg8 : memref<25000xi32, #tpu.memory_space<vmem>>)
      tpu.yield
    }) : () -> ()
    "tpu.region"() ({
      %run_scoped3A = tpu.sem_alloc : memref<!tpu.dma_semaphore, #tpu.memory_space<semaphore_mem>>
      %dma_start3A_183 = tpu.memref_slice %arg3[%mul3A_2] : memref<800000xi32, #tpu.memory_space<hbm>> -> memref<25000xi32, #tpu.memory_space<hbm>>
      %dma_start3A_184 = tpu.memref_slice %arg3[%mul3A_2] : memref<800000xi32, #tpu.memory_space<hbm>> -> memref<25000xi32, #tpu.memory_space<hbm>>
      tpu.enqueue_dma source(%dma_start3A_184 : memref<25000xi32, #tpu.memory_space<hbm>>) target(%arg9 : memref<25000xi32, #tpu.memory_space<vmem>>) target_semaphore(%run_scoped3A : memref<!tpu.dma_semaphore, #tpu.memory_space<semaphore_mem>>)
      %dma_wait3A_185 = tpu.memref_slice %arg3[%mul3A_2] : memref<800000xi32, #tpu.memory_space<hbm>> -> memref<25000xi32, #tpu.memory_space<hbm>>
      %dma_wait3A_186 = tpu.memref_slice %arg3[%mul3A_2] : memref<800000xi32, #tpu.memory_space<hbm>> -> memref<25000xi32, #tpu.memory_space<hbm>>
      tpu.wait_dma2 semaphore(%run_scoped3A : memref<!tpu.dma_semaphore, #tpu.memory_space<semaphore_mem>>) src(%dma_wait3A_186 : memref<25000xi32, #tpu.memory_space<hbm>>) dst(%arg9 : memref<25000xi32, #tpu.memory_space<vmem>>)
      tpu.yield
    }) : () -> ()
    %dma_start3A = arith.constant 0 : i32
    %dma_start3A_3 = arith.constant 0 : i32
    %dma_start3A_4 = tpu.memref_slice %arg10[%dma_start3A, %dma_start3A_3] : memref<128x128xf32, #tpu.memory_space<vmem>> -> memref<128x128xf32, #tpu.memory_space<vmem>>
    %dma_start3A_5 = arith.constant 0 : i32
    %dma_start3A_6 = tpu.memref_slice %arg8[%dma_start3A_5] : memref<25000xi32, #tpu.memory_space<vmem>> -> memref<128xi32, #tpu.memory_space<vmem>>
    %dma_start3A_7 = arith.constant 0 : i32
    %dma_start3A_8 = arith.constant 0 : i32
    %dma_start3A_9 = tpu.memref_slice %arg4[%dma_start3A_7, %dma_start3A_8] : memref<50000x128xf32, #tpu.memory_space<hbm>> -> memref<50000x128xf32, #tpu.memory_space<hbm>>
    tpu.enqueue_indirect_dma source(%dma_start3A_9 : memref<50000x128xf32, #tpu.memory_space<hbm>>) target(%dma_start3A_4 : memref<128x128xf32, #tpu.memory_space<vmem>>) offsets(%dma_start3A_6 : memref<128xi32, #tpu.memory_space<vmem>>) semaphore(%arg14 : memref<!tpu.dma_semaphore, #tpu.memory_space<semaphore_mem>>)
    %dma_start3A_10 = arith.constant 0 : i32
    %dma_start3A_11 = arith.constant 0 : i32
    %dma_start3A_12 = tpu.memref_slice %arg12[%dma_start3A_10, %dma_start3A_11] : memref<128x128xf32, #tpu.memory_space<vmem>> -> memref<128x128xf32, #tpu.memory_space<vmem>>
    %dma_start3A_13 = arith.constant 0 : i32
    %dma_start3A_14 = tpu.memref_slice %arg9[%dma_start3A_13] : memref<25000xi32, #tpu.memory_space<vmem>> -> memref<128xi32, #tpu.memory_space<vmem>>
    %dma_start3A_15 = arith.constant 0 : i32
    %dma_start3A_16 = arith.constant 0 : i32
    %dma_start3A_17 = tpu.memref_slice %arg5[%dma_start3A_15, %dma_start3A_16] : memref<50000x128xf32, #tpu.memory_space<hbm>> -> memref<50000x128xf32, #tpu.memory_space<hbm>>
    tpu.enqueue_indirect_dma source(%dma_start3A_17 : memref<50000x128xf32, #tpu.memory_space<hbm>>) target(%dma_start3A_12 : memref<128x128xf32, #tpu.memory_space<vmem>>) offsets(%dma_start3A_14 : memref<128xi32, #tpu.memory_space<vmem>>) semaphore(%arg16 : memref<!tpu.dma_semaphore, #tpu.memory_space<semaphore_mem>>)
    %scan3A = arith.constant 0 : i32
    %scan3A_18 = arith.constant 0 : i32
    %scan3A_19 = arith.constant 97 : i32
    %scan3A_20 = arith.addi %scan3A_18, %scan3A_19 : i32
    %scan3A_21 = arith.constant 1 : i32
    %scan3A_22 = scf.for %scan3A_183 = %scan3A_18 to %scan3A_20 step %scan3A_21 iter_args(%scan3A_184 = %scan3A) -> (i32)  : i32 {
      %mul3A_185 = arith.constant 2 : i32
      %mul3A_186 = arith.muli %scan3A_183, %mul3A_185 : i32
      %add3A_187 = arith.constant 1 : i32
      %add3A_188 = arith.addi %mul3A_186, %add3A_187 : i32
      %mul3A_189 = arith.constant 128 : i32
      %mul3A_190 = arith.muli %add3A_188, %mul3A_189 : i32
      %add3A_191 = arith.constant 0 : i32
      %add3A_192 = arith.addi %mul3A_190, %add3A_191 : i32
      %dma_start3A_193 = arith.constant 0 : i32
      %dma_start3A_194 = arith.constant 0 : i32
      %dma_start3A_195 = tpu.memref_slice %arg11[%dma_start3A_193, %dma_start3A_194] : memref<128x128xf32, #tpu.memory_space<vmem>> -> memref<128x128xf32, #tpu.memory_space<vmem>>
      %dma_start3A_196 = tpu.memref_slice %arg8[%add3A_192] : memref<25000xi32, #tpu.memory_space<vmem>> -> memref<128xi32, #tpu.memory_space<vmem>>
      %dma_start3A_197 = arith.constant 0 : i32
      %dma_start3A_198 = arith.constant 0 : i32
      %dma_start3A_199 = tpu.memref_slice %arg4[%dma_start3A_197, %dma_start3A_198] : memref<50000x128xf32, #tpu.memory_space<hbm>> -> memref<50000x128xf32, #tpu.memory_space<hbm>>
      tpu.enqueue_indirect_dma source(%dma_start3A_199 : memref<50000x128xf32, #tpu.memory_space<hbm>>) target(%dma_start3A_195 : memref<128x128xf32, #tpu.memory_space<vmem>>) offsets(%dma_start3A_196 : memref<128xi32, #tpu.memory_space<vmem>>) semaphore(%arg15 : memref<!tpu.dma_semaphore, #tpu.memory_space<semaphore_mem>>)
      %mul3A_200 = arith.constant 128 : i32
      %mul3A_201 = arith.muli %add3A_188, %mul3A_200 : i32
      %add3A_202 = arith.constant 0 : i32
      %add3A_203 = arith.addi %mul3A_201, %add3A_202 : i32
      %dma_start3A_204 = arith.constant 0 : i32
      %dma_start3A_205 = arith.constant 0 : i32
      %dma_start3A_206 = tpu.memref_slice %arg13[%dma_start3A_204, %dma_start3A_205] : memref<128x128xf32, #tpu.memory_space<vmem>> -> memref<128x128xf32, #tpu.memory_space<vmem>>
      %dma_start3A_207 = tpu.memref_slice %arg9[%add3A_203] : memref<25000xi32, #tpu.memory_space<vmem>> -> memref<128xi32, #tpu.memory_space<vmem>>
      %dma_start3A_208 = arith.constant 0 : i32
      %dma_start3A_209 = arith.constant 0 : i32
      %dma_start3A_210 = tpu.memref_slice %arg5[%dma_start3A_208, %dma_start3A_209] : memref<50000x128xf32, #tpu.memory_space<hbm>> -> memref<50000x128xf32, #tpu.memory_space<hbm>>
      tpu.enqueue_indirect_dma source(%dma_start3A_210 : memref<50000x128xf32, #tpu.memory_space<hbm>>) target(%dma_start3A_206 : memref<128x128xf32, #tpu.memory_space<vmem>>) offsets(%dma_start3A_207 : memref<128xi32, #tpu.memory_space<vmem>>) semaphore(%arg17 : memref<!tpu.dma_semaphore, #tpu.memory_space<semaphore_mem>>)
      %dma_wait3A_211 = arith.constant 0 : i32
      %dma_wait3A_212 = arith.constant 0 : i32
      %dma_wait3A_213 = tpu.memref_slice %arg10[%dma_wait3A_211, %dma_wait3A_212] : memref<128x128xf32, #tpu.memory_space<vmem>> -> memref<128x128xf32, #tpu.memory_space<vmem>>
      %dma_wait3A_214 = arith.constant 0 : i32
      %dma_wait3A_215 = arith.constant 0 : i32
      %dma_wait3A_216 = tpu.memref_slice %arg4[%dma_wait3A_214, %dma_wait3A_215] : memref<50000x128xf32, #tpu.memory_space<hbm>> -> memref<128x128xf32, #tpu.memory_space<hbm>>
      %dma_wait3A_217 = arith.constant 0 : i32
      %dma_wait3A_218 = arith.constant 0 : i32
      %dma_wait3A_219 = tpu.memref_slice %arg10[%dma_wait3A_217, %dma_wait3A_218] : memref<128x128xf32, #tpu.memory_space<vmem>> -> memref<128x128xf32, #tpu.memory_space<vmem>>
      %dma_wait3A_220 = arith.constant 0 : i32
      %dma_wait3A_221 = arith.constant 0 : i32
      %dma_wait3A_222 = tpu.memref_slice %arg4[%dma_wait3A_220, %dma_wait3A_221] : memref<50000x128xf32, #tpu.memory_space<hbm>> -> memref<128x128xf32, #tpu.memory_space<hbm>>
      tpu.wait_dma2 semaphore(%arg14 : memref<!tpu.dma_semaphore, #tpu.memory_space<semaphore_mem>>) src(%dma_wait3A_222 : memref<128x128xf32, #tpu.memory_space<hbm>>) dst(%dma_wait3A_219 : memref<128x128xf32, #tpu.memory_space<vmem>>)
      %dma_wait3A_223 = arith.constant 0 : i32
      %dma_wait3A_224 = arith.constant 0 : i32
      %dma_wait3A_225 = tpu.memref_slice %arg12[%dma_wait3A_223, %dma_wait3A_224] : memref<128x128xf32, #tpu.memory_space<vmem>> -> memref<128x128xf32, #tpu.memory_space<vmem>>
      %dma_wait3A_226 = arith.constant 0 : i32
      %dma_wait3A_227 = arith.constant 0 : i32
      %dma_wait3A_228 = tpu.memref_slice %arg5[%dma_wait3A_226, %dma_wait3A_227] : memref<50000x128xf32, #tpu.memory_space<hbm>> -> memref<128x128xf32, #tpu.memory_space<hbm>>
      %dma_wait3A_229 = arith.constant 0 : i32
      %dma_wait3A_230 = arith.constant 0 : i32
      %dma_wait3A_231 = tpu.memref_slice %arg12[%dma_wait3A_229, %dma_wait3A_230] : memref<128x128xf32, #tpu.memory_space<vmem>> -> memref<128x128xf32, #tpu.memory_space<vmem>>
      %dma_wait3A_232 = arith.constant 0 : i32
      %dma_wait3A_233 = arith.constant 0 : i32
      %dma_wait3A_234 = tpu.memref_slice %arg5[%dma_wait3A_232, %dma_wait3A_233] : memref<50000x128xf32, #tpu.memory_space<hbm>> -> memref<128x128xf32, #tpu.memory_space<hbm>>
      tpu.wait_dma2 semaphore(%arg16 : memref<!tpu.dma_semaphore, #tpu.memory_space<semaphore_mem>>) src(%dma_wait3A_234 : memref<128x128xf32, #tpu.memory_space<hbm>>) dst(%dma_wait3A_231 : memref<128x128xf32, #tpu.memory_space<vmem>>)
      %mul3A_235 = arith.constant 128 : i32
      %mul3A_236 = arith.muli %mul3A_186, %mul3A_235 : i32
      %add3A_237 = arith.addi %mul3A_2, %mul3A_236 : i32
      %dma_start3A_238 = arith.constant 0 : i32
      %dma_start3A_239 = arith.constant 0 : i32
      %dma_start3A_240 = tpu.memref_slice %arg10[%dma_start3A_238, %dma_start3A_239] : memref<128x128xf32, #tpu.memory_space<vmem>> -> memref<128x128xf32, #tpu.memory_space<vmem>>
      %dma_start3A_241 = arith.constant 0 : i32
      %dma_start3A_242 = tpu.memref_slice %arg6[%add3A_237, %dma_start3A_241] : memref<800000x128xf32, #tpu.memory_space<hbm>> -> memref<128x128xf32, #tpu.memory_space<hbm>>
      %dma_start3A_243 = arith.constant 0 : i32
      %dma_start3A_244 = tpu.memref_slice %arg6[%add3A_237, %dma_start3A_243] : memref<800000x128xf32, #tpu.memory_space<hbm>> -> memref<128x128xf32, #tpu.memory_space<hbm>>
      %dma_start3A_245 = arith.constant 0 : i32
      %dma_start3A_246 = arith.constant 0 : i32
      %dma_start3A_247 = tpu.memref_slice %arg10[%dma_start3A_245, %dma_start3A_246] : memref<128x128xf32, #tpu.memory_space<vmem>> -> memref<128x128xf32, #tpu.memory_space<vmem>>
      tpu.enqueue_dma source(%dma_start3A_247 : memref<128x128xf32, #tpu.memory_space<vmem>>) target(%dma_start3A_244 : memref<128x128xf32, #tpu.memory_space<hbm>>) target_semaphore(%arg18 : memref<!tpu.dma_semaphore, #tpu.memory_space<semaphore_mem>>)
      %mul3A_248 = arith.constant 128 : i32
      %mul3A_249 = arith.muli %mul3A_186, %mul3A_248 : i32
      %add3A_250 = arith.addi %mul3A_2, %mul3A_249 : i32
      %dma_start3A_251 = arith.constant 0 : i32
      %dma_start3A_252 = arith.constant 0 : i32
      %dma_start3A_253 = tpu.memref_slice %arg12[%dma_start3A_251, %dma_start3A_252] : memref<128x128xf32, #tpu.memory_space<vmem>> -> memref<128x128xf32, #tpu.memory_space<vmem>>
      %dma_start3A_254 = arith.constant 0 : i32
      %dma_start3A_255 = tpu.memref_slice %arg7[%add3A_250, %dma_start3A_254] : memref<800000x128xf32, #tpu.memory_space<hbm>> -> memref<128x128xf32, #tpu.memory_space<hbm>>
      %dma_start3A_256 = arith.constant 0 : i32
      %dma_start3A_257 = tpu.memref_slice %arg7[%add3A_250, %dma_start3A_256] : memref<800000x128xf32, #tpu.memory_space<hbm>> -> memref<128x128xf32, #tpu.memory_space<hbm>>
      %dma_start3A_258 = arith.constant 0 : i32
      %dma_start3A_259 = arith.constant 0 : i32
      %dma_start3A_260 = tpu.memref_slice %arg12[%dma_start3A_258, %dma_start3A_259] : memref<128x128xf32, #tpu.memory_space<vmem>> -> memref<128x128xf32, #tpu.memory_space<vmem>>
      tpu.enqueue_dma source(%dma_start3A_260 : memref<128x128xf32, #tpu.memory_space<vmem>>) target(%dma_start3A_257 : memref<128x128xf32, #tpu.memory_space<hbm>>) target_semaphore(%arg20 : memref<!tpu.dma_semaphore, #tpu.memory_space<semaphore_mem>>)
      %dma_wait3A_261 = arith.constant 0 : i32
      %dma_wait3A_262 = arith.constant 0 : i32
      %dma_wait3A_263 = tpu.memref_slice %arg10[%dma_wait3A_261, %dma_wait3A_262] : memref<128x128xf32, #tpu.memory_space<vmem>> -> memref<128x128xf32, #tpu.memory_space<vmem>>
      %dma_wait3A_264 = arith.constant 0 : i32
      %dma_wait3A_265 = arith.constant 0 : i32
      %dma_wait3A_266 = tpu.memref_slice %arg4[%dma_wait3A_264, %dma_wait3A_265] : memref<50000x128xf32, #tpu.memory_space<hbm>> -> memref<128x128xf32, #tpu.memory_space<hbm>>
      %dma_wait3A_267 = arith.constant 0 : i32
      %dma_wait3A_268 = arith.constant 0 : i32
      %dma_wait3A_269 = tpu.memref_slice %arg10[%dma_wait3A_267, %dma_wait3A_268] : memref<128x128xf32, #tpu.memory_space<vmem>> -> memref<128x128xf32, #tpu.memory_space<vmem>>
      %dma_wait3A_270 = arith.constant 0 : i32
      %dma_wait3A_271 = arith.constant 0 : i32
      %dma_wait3A_272 = tpu.memref_slice %arg4[%dma_wait3A_270, %dma_wait3A_271] : memref<50000x128xf32, #tpu.memory_space<hbm>> -> memref<128x128xf32, #tpu.memory_space<hbm>>
      tpu.wait_dma2 semaphore(%arg18 : memref<!tpu.dma_semaphore, #tpu.memory_space<semaphore_mem>>) src(%dma_wait3A_272 : memref<128x128xf32, #tpu.memory_space<hbm>>) dst(%dma_wait3A_269 : memref<128x128xf32, #tpu.memory_space<vmem>>)
      %dma_wait3A_273 = arith.constant 0 : i32
      %dma_wait3A_274 = arith.constant 0 : i32
      %dma_wait3A_275 = tpu.memref_slice %arg12[%dma_wait3A_273, %dma_wait3A_274] : memref<128x128xf32, #tpu.memory_space<vmem>> -> memref<128x128xf32, #tpu.memory_space<vmem>>
      %dma_wait3A_276 = arith.constant 0 : i32
      %dma_wait3A_277 = arith.constant 0 : i32
      %dma_wait3A_278 = tpu.memref_slice %arg5[%dma_wait3A_276, %dma_wait3A_277] : memref<50000x128xf32, #tpu.memory_space<hbm>> -> memref<128x128xf32, #tpu.memory_space<hbm>>
      %dma_wait3A_279 = arith.constant 0 : i32
      %dma_wait3A_280 = arith.constant 0 : i32
      %dma_wait3A_281 = tpu.memref_slice %arg12[%dma_wait3A_279, %dma_wait3A_280] : memref<128x128xf32, #tpu.memory_space<vmem>> -> memref<128x128xf32, #tpu.memory_space<vmem>>
      %dma_wait3A_282 = arith.constant 0 : i32
      %dma_wait3A_283 = arith.constant 0 : i32
      %dma_wait3A_284 = tpu.memref_slice %arg5[%dma_wait3A_282, %dma_wait3A_283] : memref<50000x128xf32, #tpu.memory_space<hbm>> -> memref<128x128xf32, #tpu.memory_space<hbm>>
      tpu.wait_dma2 semaphore(%arg20 : memref<!tpu.dma_semaphore, #tpu.memory_space<semaphore_mem>>) src(%dma_wait3A_284 : memref<128x128xf32, #tpu.memory_space<hbm>>) dst(%dma_wait3A_281 : memref<128x128xf32, #tpu.memory_space<vmem>>)
      %add3A_285 = arith.constant 2 : i32
      %add3A_286 = arith.addi %mul3A_186, %add3A_285 : i32
      %lt3A = arith.constant 195 : i32
      %lt3A_287 = arith.cmpi slt, %add3A_286, %lt3A : i32
      %convert_element_type3A = arith.extui %lt3A_287 : i1 to i32
      %cond3A = arith.constant 0 : i32
      %cond3A_288 = arith.cmpi ne, %convert_element_type3A, %cond3A : i32
      scf.if %cond3A_288 {
        %add3A_366 = arith.constant 2 : i32
        %add3A_367 = arith.addi %mul3A_186, %add3A_366 : i32
        %mul3A_368 = arith.constant 128 : i32
        %mul3A_369 = arith.muli %add3A_367, %mul3A_368 : i32
        %add3A_370 = arith.constant 0 : i32
        %add3A_371 = arith.addi %mul3A_369, %add3A_370 : i32
        %dma_start3A_372 = arith.constant 0 : i32
        %dma_start3A_373 = arith.constant 0 : i32
        %dma_start3A_374 = tpu.memref_slice %arg10[%dma_start3A_372, %dma_start3A_373] : memref<128x128xf32, #tpu.memory_space<vmem>> -> memref<128x128xf32, #tpu.memory_space<vmem>>
        %dma_start3A_375 = tpu.memref_slice %arg8[%add3A_371] : memref<25000xi32, #tpu.memory_space<vmem>> -> memref<128xi32, #tpu.memory_space<vmem>>
        %dma_start3A_376 = arith.constant 0 : i32
        %dma_start3A_377 = arith.constant 0 : i32
        %dma_start3A_378 = tpu.memref_slice %arg4[%dma_start3A_376, %dma_start3A_377] : memref<50000x128xf32, #tpu.memory_space<hbm>> -> memref<50000x128xf32, #tpu.memory_space<hbm>>
        tpu.enqueue_indirect_dma source(%dma_start3A_378 : memref<50000x128xf32, #tpu.memory_space<hbm>>) target(%dma_start3A_374 : memref<128x128xf32, #tpu.memory_space<vmem>>) offsets(%dma_start3A_375 : memref<128xi32, #tpu.memory_space<vmem>>) semaphore(%arg14 : memref<!tpu.dma_semaphore, #tpu.memory_space<semaphore_mem>>)
        %mul3A_379 = arith.constant 128 : i32
        %mul3A_380 = arith.muli %add3A_367, %mul3A_379 : i32
        %add3A_381 = arith.constant 0 : i32
        %add3A_382 = arith.addi %mul3A_380, %add3A_381 : i32
        %dma_start3A_383 = arith.constant 0 : i32
        %dma_start3A_384 = arith.constant 0 : i32
        %dma_start3A_385 = tpu.memref_slice %arg12[%dma_start3A_383, %dma_start3A_384] : memref<128x128xf32, #tpu.memory_space<vmem>> -> memref<128x128xf32, #tpu.memory_space<vmem>>
        %dma_start3A_386 = tpu.memref_slice %arg9[%add3A_382] : memref<25000xi32, #tpu.memory_space<vmem>> -> memref<128xi32, #tpu.memory_space<vmem>>
        %dma_start3A_387 = arith.constant 0 : i32
        %dma_start3A_388 = arith.constant 0 : i32
        %dma_start3A_389 = tpu.memref_slice %arg5[%dma_start3A_387, %dma_start3A_388] : memref<50000x128xf32, #tpu.memory_space<hbm>> -> memref<50000x128xf32, #tpu.memory_space<hbm>>
        tpu.enqueue_indirect_dma source(%dma_start3A_389 : memref<50000x128xf32, #tpu.memory_space<hbm>>) target(%dma_start3A_385 : memref<128x128xf32, #tpu.memory_space<vmem>>) offsets(%dma_start3A_386 : memref<128xi32, #tpu.memory_space<vmem>>) semaphore(%arg16 : memref<!tpu.dma_semaphore, #tpu.memory_space<semaphore_mem>>)
      } else {
      }
      %add3A_289 = arith.constant 1 : i32
      %add3A_290 = arith.addi %mul3A_186, %add3A_289 : i32
      %dma_wait3A_291 = arith.constant 0 : i32
      %dma_wait3A_292 = arith.constant 0 : i32
      %dma_wait3A_293 = tpu.memref_slice %arg11[%dma_wait3A_291, %dma_wait3A_292] : memref<128x128xf32, #tpu.memory_space<vmem>> -> memref<128x128xf32, #tpu.memory_space<vmem>>
      %dma_wait3A_294 = arith.constant 0 : i32
      %dma_wait3A_295 = arith.constant 0 : i32
      %dma_wait3A_296 = tpu.memref_slice %arg4[%dma_wait3A_294, %dma_wait3A_295] : memref<50000x128xf32, #tpu.memory_space<hbm>> -> memref<128x128xf32, #tpu.memory_space<hbm>>
      %dma_wait3A_297 = arith.constant 0 : i32
      %dma_wait3A_298 = arith.constant 0 : i32
      %dma_wait3A_299 = tpu.memref_slice %arg11[%dma_wait3A_297, %dma_wait3A_298] : memref<128x128xf32, #tpu.memory_space<vmem>> -> memref<128x128xf32, #tpu.memory_space<vmem>>
      %dma_wait3A_300 = arith.constant 0 : i32
      %dma_wait3A_301 = arith.constant 0 : i32
      %dma_wait3A_302 = tpu.memref_slice %arg4[%dma_wait3A_300, %dma_wait3A_301] : memref<50000x128xf32, #tpu.memory_space<hbm>> -> memref<128x128xf32, #tpu.memory_space<hbm>>
      tpu.wait_dma2 semaphore(%arg15 : memref<!tpu.dma_semaphore, #tpu.memory_space<semaphore_mem>>) src(%dma_wait3A_302 : memref<128x128xf32, #tpu.memory_space<hbm>>) dst(%dma_wait3A_299 : memref<128x128xf32, #tpu.memory_space<vmem>>)
      %dma_wait3A_303 = arith.constant 0 : i32
      %dma_wait3A_304 = arith.constant 0 : i32
      %dma_wait3A_305 = tpu.memref_slice %arg13[%dma_wait3A_303, %dma_wait3A_304] : memref<128x128xf32, #tpu.memory_space<vmem>> -> memref<128x128xf32, #tpu.memory_space<vmem>>
      %dma_wait3A_306 = arith.constant 0 : i32
      %dma_wait3A_307 = arith.constant 0 : i32
      %dma_wait3A_308 = tpu.memref_slice %arg5[%dma_wait3A_306, %dma_wait3A_307] : memref<50000x128xf32, #tpu.memory_space<hbm>> -> memref<128x128xf32, #tpu.memory_space<hbm>>
      %dma_wait3A_309 = arith.constant 0 : i32
      %dma_wait3A_310 = arith.constant 0 : i32
      %dma_wait3A_311 = tpu.memref_slice %arg13[%dma_wait3A_309, %dma_wait3A_310] : memref<128x128xf32, #tpu.memory_space<vmem>> -> memref<128x128xf32, #tpu.memory_space<vmem>>
      %dma_wait3A_312 = arith.constant 0 : i32
      %dma_wait3A_313 = arith.constant 0 : i32
      %dma_wait3A_314 = tpu.memref_slice %arg5[%dma_wait3A_312, %dma_wait3A_313] : memref<50000x128xf32, #tpu.memory_space<hbm>> -> memref<128x128xf32, #tpu.memory_space<hbm>>
      tpu.wait_dma2 semaphore(%arg17 : memref<!tpu.dma_semaphore, #tpu.memory_space<semaphore_mem>>) src(%dma_wait3A_314 : memref<128x128xf32, #tpu.memory_space<hbm>>) dst(%dma_wait3A_311 : memref<128x128xf32, #tpu.memory_space<vmem>>)
      %mul3A_315 = arith.constant 128 : i32
      %mul3A_316 = arith.muli %add3A_290, %mul3A_315 : i32
      %add3A_317 = arith.addi %mul3A_2, %mul3A_316 : i32
      %dma_start3A_318 = arith.constant 0 : i32
      %dma_start3A_319 = arith.constant 0 : i32
      %dma_start3A_320 = tpu.memref_slice %arg11[%dma_start3A_318, %dma_start3A_319] : memref<128x128xf32, #tpu.memory_space<vmem>> -> memref<128x128xf32, #tpu.memory_space<vmem>>
      %dma_start3A_321 = arith.constant 0 : i32
      %dma_start3A_322 = tpu.memref_slice %arg6[%add3A_317, %dma_start3A_321] : memref<800000x128xf32, #tpu.memory_space<hbm>> -> memref<128x128xf32, #tpu.memory_space<hbm>>
      %dma_start3A_323 = arith.constant 0 : i32
      %dma_start3A_324 = tpu.memref_slice %arg6[%add3A_317, %dma_start3A_323] : memref<800000x128xf32, #tpu.memory_space<hbm>> -> memref<128x128xf32, #tpu.memory_space<hbm>>
      %dma_start3A_325 = arith.constant 0 : i32
      %dma_start3A_326 = arith.constant 0 : i32
      %dma_start3A_327 = tpu.memref_slice %arg11[%dma_start3A_325, %dma_start3A_326] : memref<128x128xf32, #tpu.memory_space<vmem>> -> memref<128x128xf32, #tpu.memory_space<vmem>>
      tpu.enqueue_dma source(%dma_start3A_327 : memref<128x128xf32, #tpu.memory_space<vmem>>) target(%dma_start3A_324 : memref<128x128xf32, #tpu.memory_space<hbm>>) target_semaphore(%arg19 : memref<!tpu.dma_semaphore, #tpu.memory_space<semaphore_mem>>)
      %mul3A_328 = arith.constant 128 : i32
      %mul3A_329 = arith.muli %add3A_290, %mul3A_328 : i32
      %add3A_330 = arith.addi %mul3A_2, %mul3A_329 : i32
      %dma_start3A_331 = arith.constant 0 : i32
      %dma_start3A_332 = arith.constant 0 : i32
      %dma_start3A_333 = tpu.memref_slice %arg13[%dma_start3A_331, %dma_start3A_332] : memref<128x128xf32, #tpu.memory_space<vmem>> -> memref<128x128xf32, #tpu.memory_space<vmem>>
      %dma_start3A_334 = arith.constant 0 : i32
      %dma_start3A_335 = tpu.memref_slice %arg7[%add3A_330, %dma_start3A_334] : memref<800000x128xf32, #tpu.memory_space<hbm>> -> memref<128x128xf32, #tpu.memory_space<hbm>>
      %dma_start3A_336 = arith.constant 0 : i32
      %dma_start3A_337 = tpu.memref_slice %arg7[%add3A_330, %dma_start3A_336] : memref<800000x128xf32, #tpu.memory_space<hbm>> -> memref<128x128xf32, #tpu.memory_space<hbm>>
      %dma_start3A_338 = arith.constant 0 : i32
      %dma_start3A_339 = arith.constant 0 : i32
      %dma_start3A_340 = tpu.memref_slice %arg13[%dma_start3A_338, %dma_start3A_339] : memref<128x128xf32, #tpu.memory_space<vmem>> -> memref<128x128xf32, #tpu.memory_space<vmem>>
      tpu.enqueue_dma source(%dma_start3A_340 : memref<128x128xf32, #tpu.memory_space<vmem>>) target(%dma_start3A_337 : memref<128x128xf32, #tpu.memory_space<hbm>>) target_semaphore(%arg21 : memref<!tpu.dma_semaphore, #tpu.memory_space<semaphore_mem>>)
      %dma_wait3A_341 = arith.constant 0 : i32
      %dma_wait3A_342 = arith.constant 0 : i32
      %dma_wait3A_343 = tpu.memref_slice %arg11[%dma_wait3A_341, %dma_wait3A_342] : memref<128x128xf32, #tpu.memory_space<vmem>> -> memref<128x128xf32, #tpu.memory_space<vmem>>
      %dma_wait3A_344 = arith.constant 0 : i32
      %dma_wait3A_345 = arith.constant 0 : i32
      %dma_wait3A_346 = tpu.memref_slice %arg4[%dma_wait3A_344, %dma_wait3A_345] : memref<50000x128xf32, #tpu.memory_space<hbm>> -> memref<128x128xf32, #tpu.memory_space<hbm>>
      %dma_wait3A_347 = arith.constant 0 : i32
      %dma_wait3A_348 = arith.constant 0 : i32
      %dma_wait3A_349 = tpu.memref_slice %arg11[%dma_wait3A_347, %dma_wait3A_348] : memref<128x128xf32, #tpu.memory_space<vmem>> -> memref<128x128xf32, #tpu.memory_space<vmem>>
      %dma_wait3A_350 = arith.constant 0 : i32
      %dma_wait3A_351 = arith.constant 0 : i32
      %dma_wait3A_352 = tpu.memref_slice %arg4[%dma_wait3A_350, %dma_wait3A_351] : memref<50000x128xf32, #tpu.memory_space<hbm>> -> memref<128x128xf32, #tpu.memory_space<hbm>>
      tpu.wait_dma2 semaphore(%arg19 : memref<!tpu.dma_semaphore, #tpu.memory_space<semaphore_mem>>) src(%dma_wait3A_352 : memref<128x128xf32, #tpu.memory_space<hbm>>) dst(%dma_wait3A_349 : memref<128x128xf32, #tpu.memory_space<vmem>>)
      %dma_wait3A_353 = arith.constant 0 : i32
      %dma_wait3A_354 = arith.constant 0 : i32
      %dma_wait3A_355 = tpu.memref_slice %arg13[%dma_wait3A_353, %dma_wait3A_354] : memref<128x128xf32, #tpu.memory_space<vmem>> -> memref<128x128xf32, #tpu.memory_space<vmem>>
      %dma_wait3A_356 = arith.constant 0 : i32
      %dma_wait3A_357 = arith.constant 0 : i32
      %dma_wait3A_358 = tpu.memref_slice %arg5[%dma_wait3A_356, %dma_wait3A_357] : memref<50000x128xf32, #tpu.memory_space<hbm>> -> memref<128x128xf32, #tpu.memory_space<hbm>>
      %dma_wait3A_359 = arith.constant 0 : i32
      %dma_wait3A_360 = arith.constant 0 : i32
      %dma_wait3A_361 = tpu.memref_slice %arg13[%dma_wait3A_359, %dma_wait3A_360] : memref<128x128xf32, #tpu.memory_space<vmem>> -> memref<128x128xf32, #tpu.memory_space<vmem>>
      %dma_wait3A_362 = arith.constant 0 : i32
      %dma_wait3A_363 = arith.constant 0 : i32
      %dma_wait3A_364 = tpu.memref_slice %arg5[%dma_wait3A_362, %dma_wait3A_363] : memref<50000x128xf32, #tpu.memory_space<hbm>> -> memref<128x128xf32, #tpu.memory_space<hbm>>
      tpu.wait_dma2 semaphore(%arg21 : memref<!tpu.dma_semaphore, #tpu.memory_space<semaphore_mem>>) src(%dma_wait3A_364 : memref<128x128xf32, #tpu.memory_space<hbm>>) dst(%dma_wait3A_361 : memref<128x128xf32, #tpu.memory_space<vmem>>)
      %scan3A_365 = arith.constant 0 : i32
      scf.yield %scan3A_365 : i32
    }
    %scan3A_23 = arith.constant 97 : i32
    %dma_wait3A = arith.constant 0 : i32
    %dma_wait3A_24 = arith.constant 0 : i32
    %dma_wait3A_25 = tpu.memref_slice %arg10[%dma_wait3A, %dma_wait3A_24] : memref<128x128xf32, #tpu.memory_space<vmem>> -> memref<128x128xf32, #tpu.memory_space<vmem>>
    %dma_wait3A_26 = arith.constant 0 : i32
    %dma_wait3A_27 = arith.constant 0 : i32
    %dma_wait3A_28 = tpu.memref_slice %arg4[%dma_wait3A_26, %dma_wait3A_27] : memref<50000x128xf32, #tpu.memory_space<hbm>> -> memref<128x128xf32, #tpu.memory_space<hbm>>
    %dma_wait3A_29 = arith.constant 0 : i32
    %dma_wait3A_30 = arith.constant 0 : i32
    %dma_wait3A_31 = tpu.memref_slice %arg10[%dma_wait3A_29, %dma_wait3A_30] : memref<128x128xf32, #tpu.memory_space<vmem>> -> memref<128x128xf32, #tpu.memory_space<vmem>>
    %dma_wait3A_32 = arith.constant 0 : i32
    %dma_wait3A_33 = arith.constant 0 : i32
    %dma_wait3A_34 = tpu.memref_slice %arg4[%dma_wait3A_32, %dma_wait3A_33] : memref<50000x128xf32, #tpu.memory_space<hbm>> -> memref<128x128xf32, #tpu.memory_space<hbm>>
    tpu.wait_dma2 semaphore(%arg14 : memref<!tpu.dma_semaphore, #tpu.memory_space<semaphore_mem>>) src(%dma_wait3A_34 : memref<128x128xf32, #tpu.memory_space<hbm>>) dst(%dma_wait3A_31 : memref<128x128xf32, #tpu.memory_space<vmem>>)
    %dma_wait3A_35 = arith.constant 0 : i32
    %dma_wait3A_36 = arith.constant 0 : i32
    %dma_wait3A_37 = tpu.memref_slice %arg12[%dma_wait3A_35, %dma_wait3A_36] : memref<128x128xf32, #tpu.memory_space<vmem>> -> memref<128x128xf32, #tpu.memory_space<vmem>>
    %dma_wait3A_38 = arith.constant 0 : i32
    %dma_wait3A_39 = arith.constant 0 : i32
    %dma_wait3A_40 = tpu.memref_slice %arg5[%dma_wait3A_38, %dma_wait3A_39] : memref<50000x128xf32, #tpu.memory_space<hbm>> -> memref<128x128xf32, #tpu.memory_space<hbm>>
    %dma_wait3A_41 = arith.constant 0 : i32
    %dma_wait3A_42 = arith.constant 0 : i32
    %dma_wait3A_43 = tpu.memref_slice %arg12[%dma_wait3A_41, %dma_wait3A_42] : memref<128x128xf32, #tpu.memory_space<vmem>> -> memref<128x128xf32, #tpu.memory_space<vmem>>
    %dma_wait3A_44 = arith.constant 0 : i32
    %dma_wait3A_45 = arith.constant 0 : i32
    %dma_wait3A_46 = tpu.memref_slice %arg5[%dma_wait3A_44, %dma_wait3A_45] : memref<50000x128xf32, #tpu.memory_space<hbm>> -> memref<128x128xf32, #tpu.memory_space<hbm>>
    tpu.wait_dma2 semaphore(%arg16 : memref<!tpu.dma_semaphore, #tpu.memory_space<semaphore_mem>>) src(%dma_wait3A_46 : memref<128x128xf32, #tpu.memory_space<hbm>>) dst(%dma_wait3A_43 : memref<128x128xf32, #tpu.memory_space<vmem>>)
    %add3A_47 = arith.constant 24832 : i32
    %add3A_48 = arith.addi %mul3A_2, %add3A_47 : i32
    %dma_start3A_49 = arith.constant 0 : i32
    %dma_start3A_50 = arith.constant 0 : i32
    %dma_start3A_51 = tpu.memref_slice %arg10[%dma_start3A_49, %dma_start3A_50] : memref<128x128xf32, #tpu.memory_space<vmem>> -> memref<128x128xf32, #tpu.memory_space<vmem>>
    %dma_start3A_52 = arith.constant 0 : i32
    %dma_start3A_53 = tpu.memref_slice %arg6[%add3A_48, %dma_start3A_52] : memref<800000x128xf32, #tpu.memory_space<hbm>> -> memref<128x128xf32, #tpu.memory_space<hbm>>
    %dma_start3A_54 = arith.constant 0 : i32
    %dma_start3A_55 = tpu.memref_slice %arg6[%add3A_48, %dma_start3A_54] : memref<800000x128xf32, #tpu.memory_space<hbm>> -> memref<128x128xf32, #tpu.memory_space<hbm>>
    %dma_start3A_56 = arith.constant 0 : i32
    %dma_start3A_57 = arith.constant 0 : i32
    %dma_start3A_58 = tpu.memref_slice %arg10[%dma_start3A_56, %dma_start3A_57] : memref<128x128xf32, #tpu.memory_space<vmem>> -> memref<128x128xf32, #tpu.memory_space<vmem>>
    tpu.enqueue_dma source(%dma_start3A_58 : memref<128x128xf32, #tpu.memory_space<vmem>>) target(%dma_start3A_55 : memref<128x128xf32, #tpu.memory_space<hbm>>) target_semaphore(%arg18 : memref<!tpu.dma_semaphore, #tpu.memory_space<semaphore_mem>>)
    %add3A_59 = arith.constant 24832 : i32
    %add3A_60 = arith.addi %mul3A_2, %add3A_59 : i32
    %dma_start3A_61 = arith.constant 0 : i32
    %dma_start3A_62 = arith.constant 0 : i32
    %dma_start3A_63 = tpu.memref_slice %arg12[%dma_start3A_61, %dma_start3A_62] : memref<128x128xf32, #tpu.memory_space<vmem>> -> memref<128x128xf32, #tpu.memory_space<vmem>>
    %dma_start3A_64 = arith.constant 0 : i32
    %dma_start3A_65 = tpu.memref_slice %arg7[%add3A_60, %dma_start3A_64] : memref<800000x128xf32, #tpu.memory_space<hbm>> -> memref<128x128xf32, #tpu.memory_space<hbm>>
    %dma_start3A_66 = arith.constant 0 : i32
    %dma_start3A_67 = tpu.memref_slice %arg7[%add3A_60, %dma_start3A_66] : memref<800000x128xf32, #tpu.memory_space<hbm>> -> memref<128x128xf32, #tpu.memory_space<hbm>>
    %dma_start3A_68 = arith.constant 0 : i32
    %dma_start3A_69 = arith.constant 0 : i32
    %dma_start3A_70 = tpu.memref_slice %arg12[%dma_start3A_68, %dma_start3A_69] : memref<128x128xf32, #tpu.memory_space<vmem>> -> memref<128x128xf32, #tpu.memory_space<vmem>>
    tpu.enqueue_dma source(%dma_start3A_70 : memref<128x128xf32, #tpu.memory_space<vmem>>) target(%dma_start3A_67 : memref<128x128xf32, #tpu.memory_space<hbm>>) target_semaphore(%arg20 : memref<!tpu.dma_semaphore, #tpu.memory_space<semaphore_mem>>)
    %dma_wait3A_71 = arith.constant 0 : i32
    %dma_wait3A_72 = arith.constant 0 : i32
    %dma_wait3A_73 = tpu.memref_slice %arg10[%dma_wait3A_71, %dma_wait3A_72] : memref<128x128xf32, #tpu.memory_space<vmem>> -> memref<128x128xf32, #tpu.memory_space<vmem>>
    %dma_wait3A_74 = arith.constant 0 : i32
    %dma_wait3A_75 = arith.constant 0 : i32
    %dma_wait3A_76 = tpu.memref_slice %arg4[%dma_wait3A_74, %dma_wait3A_75] : memref<50000x128xf32, #tpu.memory_space<hbm>> -> memref<128x128xf32, #tpu.memory_space<hbm>>
    %dma_wait3A_77 = arith.constant 0 : i32
    %dma_wait3A_78 = arith.constant 0 : i32
    %dma_wait3A_79 = tpu.memref_slice %arg10[%dma_wait3A_77, %dma_wait3A_78] : memref<128x128xf32, #tpu.memory_space<vmem>> -> memref<128x128xf32, #tpu.memory_space<vmem>>
    %dma_wait3A_80 = arith.constant 0 : i32
    %dma_wait3A_81 = arith.constant 0 : i32
    %dma_wait3A_82 = tpu.memref_slice %arg4[%dma_wait3A_80, %dma_wait3A_81] : memref<50000x128xf32, #tpu.memory_space<hbm>> -> memref<128x128xf32, #tpu.memory_space<hbm>>
    tpu.wait_dma2 semaphore(%arg18 : memref<!tpu.dma_semaphore, #tpu.memory_space<semaphore_mem>>) src(%dma_wait3A_82 : memref<128x128xf32, #tpu.memory_space<hbm>>) dst(%dma_wait3A_79 : memref<128x128xf32, #tpu.memory_space<vmem>>)
    %dma_wait3A_83 = arith.constant 0 : i32
    %dma_wait3A_84 = arith.constant 0 : i32
    %dma_wait3A_85 = tpu.memref_slice %arg12[%dma_wait3A_83, %dma_wait3A_84] : memref<128x128xf32, #tpu.memory_space<vmem>> -> memref<128x128xf32, #tpu.memory_space<vmem>>
    %dma_wait3A_86 = arith.constant 0 : i32
    %dma_wait3A_87 = arith.constant 0 : i32
    %dma_wait3A_88 = tpu.memref_slice %arg5[%dma_wait3A_86, %dma_wait3A_87] : memref<50000x128xf32, #tpu.memory_space<hbm>> -> memref<128x128xf32, #tpu.memory_space<hbm>>
    %dma_wait3A_89 = arith.constant 0 : i32
    %dma_wait3A_90 = arith.constant 0 : i32
    %dma_wait3A_91 = tpu.memref_slice %arg12[%dma_wait3A_89, %dma_wait3A_90] : memref<128x128xf32, #tpu.memory_space<vmem>> -> memref<128x128xf32, #tpu.memory_space<vmem>>
    %dma_wait3A_92 = arith.constant 0 : i32
    %dma_wait3A_93 = arith.constant 0 : i32
    %dma_wait3A_94 = tpu.memref_slice %arg5[%dma_wait3A_92, %dma_wait3A_93] : memref<50000x128xf32, #tpu.memory_space<hbm>> -> memref<128x128xf32, #tpu.memory_space<hbm>>
    tpu.wait_dma2 semaphore(%arg20 : memref<!tpu.dma_semaphore, #tpu.memory_space<semaphore_mem>>) src(%dma_wait3A_94 : memref<128x128xf32, #tpu.memory_space<hbm>>) dst(%dma_wait3A_91 : memref<128x128xf32, #tpu.memory_space<vmem>>)
    %dma_start3A_95 = arith.constant 0 : i32
    %dma_start3A_96 = arith.constant 0 : i32
    %dma_start3A_97 = tpu.memref_slice %arg10[%dma_start3A_95, %dma_start3A_96] : memref<128x128xf32, #tpu.memory_space<vmem>> -> memref<40x128xf32, #tpu.memory_space<vmem>>
    %dma_start3A_98 = arith.constant 24960 : i32
    %dma_start3A_99 = tpu.memref_slice %arg8[%dma_start3A_98] : memref<25000xi32, #tpu.memory_space<vmem>> -> memref<40xi32, #tpu.memory_space<vmem>>
    %dma_start3A_100 = arith.constant 0 : i32
    %dma_start3A_101 = arith.constant 0 : i32
    %dma_start3A_102 = tpu.memref_slice %arg4[%dma_start3A_100, %dma_start3A_101] : memref<50000x128xf32, #tpu.memory_space<hbm>> -> memref<50000x128xf32, #tpu.memory_space<hbm>>
    tpu.enqueue_indirect_dma source(%dma_start3A_102 : memref<50000x128xf32, #tpu.memory_space<hbm>>) target(%dma_start3A_97 : memref<40x128xf32, #tpu.memory_space<vmem>>) offsets(%dma_start3A_99 : memref<40xi32, #tpu.memory_space<vmem>>) semaphore(%arg14 : memref<!tpu.dma_semaphore, #tpu.memory_space<semaphore_mem>>)
    %dma_start3A_103 = arith.constant 0 : i32
    %dma_start3A_104 = arith.constant 0 : i32
    %dma_start3A_105 = tpu.memref_slice %arg12[%dma_start3A_103, %dma_start3A_104] : memref<128x128xf32, #tpu.memory_space<vmem>> -> memref<40x128xf32, #tpu.memory_space<vmem>>
    %dma_start3A_106 = arith.constant 24960 : i32
    %dma_start3A_107 = tpu.memref_slice %arg9[%dma_start3A_106] : memref<25000xi32, #tpu.memory_space<vmem>> -> memref<40xi32, #tpu.memory_space<vmem>>
    %dma_start3A_108 = arith.constant 0 : i32
    %dma_start3A_109 = arith.constant 0 : i32
    %dma_start3A_110 = tpu.memref_slice %arg5[%dma_start3A_108, %dma_start3A_109] : memref<50000x128xf32, #tpu.memory_space<hbm>> -> memref<50000x128xf32, #tpu.memory_space<hbm>>
    tpu.enqueue_indirect_dma source(%dma_start3A_110 : memref<50000x128xf32, #tpu.memory_space<hbm>>) target(%dma_start3A_105 : memref<40x128xf32, #tpu.memory_space<vmem>>) offsets(%dma_start3A_107 : memref<40xi32, #tpu.memory_space<vmem>>) semaphore(%arg16 : memref<!tpu.dma_semaphore, #tpu.memory_space<semaphore_mem>>)
    %dma_wait3A_111 = arith.constant 0 : i32
    %dma_wait3A_112 = arith.constant 0 : i32
    %dma_wait3A_113 = tpu.memref_slice %arg10[%dma_wait3A_111, %dma_wait3A_112] : memref<128x128xf32, #tpu.memory_space<vmem>> -> memref<40x128xf32, #tpu.memory_space<vmem>>
    %dma_wait3A_114 = arith.constant 0 : i32
    %dma_wait3A_115 = arith.constant 0 : i32
    %dma_wait3A_116 = tpu.memref_slice %arg4[%dma_wait3A_114, %dma_wait3A_115] : memref<50000x128xf32, #tpu.memory_space<hbm>> -> memref<40x128xf32, #tpu.memory_space<hbm>>
    %dma_wait3A_117 = arith.constant 0 : i32
    %dma_wait3A_118 = arith.constant 0 : i32
    %dma_wait3A_119 = tpu.memref_slice %arg10[%dma_wait3A_117, %dma_wait3A_118] : memref<128x128xf32, #tpu.memory_space<vmem>> -> memref<40x128xf32, #tpu.memory_space<vmem>>
    %dma_wait3A_120 = arith.constant 0 : i32
    %dma_wait3A_121 = arith.constant 0 : i32
    %dma_wait3A_122 = tpu.memref_slice %arg4[%dma_wait3A_120, %dma_wait3A_121] : memref<50000x128xf32, #tpu.memory_space<hbm>> -> memref<40x128xf32, #tpu.memory_space<hbm>>
    tpu.wait_dma2 semaphore(%arg14 : memref<!tpu.dma_semaphore, #tpu.memory_space<semaphore_mem>>) src(%dma_wait3A_122 : memref<40x128xf32, #tpu.memory_space<hbm>>) dst(%dma_wait3A_119 : memref<40x128xf32, #tpu.memory_space<vmem>>)
    %dma_wait3A_123 = arith.constant 0 : i32
    %dma_wait3A_124 = arith.constant 0 : i32
    %dma_wait3A_125 = tpu.memref_slice %arg12[%dma_wait3A_123, %dma_wait3A_124] : memref<128x128xf32, #tpu.memory_space<vmem>> -> memref<40x128xf32, #tpu.memory_space<vmem>>
    %dma_wait3A_126 = arith.constant 0 : i32
    %dma_wait3A_127 = arith.constant 0 : i32
    %dma_wait3A_128 = tpu.memref_slice %arg5[%dma_wait3A_126, %dma_wait3A_127] : memref<50000x128xf32, #tpu.memory_space<hbm>> -> memref<40x128xf32, #tpu.memory_space<hbm>>
    %dma_wait3A_129 = arith.constant 0 : i32
    %dma_wait3A_130 = arith.constant 0 : i32
    %dma_wait3A_131 = tpu.memref_slice %arg12[%dma_wait3A_129, %dma_wait3A_130] : memref<128x128xf32, #tpu.memory_space<vmem>> -> memref<40x128xf32, #tpu.memory_space<vmem>>
    %dma_wait3A_132 = arith.constant 0 : i32
    %dma_wait3A_133 = arith.constant 0 : i32
    %dma_wait3A_134 = tpu.memref_slice %arg5[%dma_wait3A_132, %dma_wait3A_133] : memref<50000x128xf32, #tpu.memory_space<hbm>> -> memref<40x128xf32, #tpu.memory_space<hbm>>
    tpu.wait_dma2 semaphore(%arg16 : memref<!tpu.dma_semaphore, #tpu.memory_space<semaphore_mem>>) src(%dma_wait3A_134 : memref<40x128xf32, #tpu.memory_space<hbm>>) dst(%dma_wait3A_131 : memref<40x128xf32, #tpu.memory_space<vmem>>)
    %add3A_135 = arith.constant 24960 : i32
    %add3A_136 = arith.addi %mul3A_2, %add3A_135 : i32
    %dma_start3A_137 = arith.constant 0 : i32
    %dma_start3A_138 = arith.constant 0 : i32
    %dma_start3A_139 = tpu.memref_slice %arg10[%dma_start3A_137, %dma_start3A_138] : memref<128x128xf32, #tpu.memory_space<vmem>> -> memref<40x128xf32, #tpu.memory_space<vmem>>
    %dma_start3A_140 = arith.constant 0 : i32
    %dma_start3A_141 = tpu.memref_slice %arg6[%add3A_136, %dma_start3A_140] : memref<800000x128xf32, #tpu.memory_space<hbm>> -> memref<40x128xf32, #tpu.memory_space<hbm>>
    %dma_start3A_142 = arith.constant 0 : i32
    %dma_start3A_143 = tpu.memref_slice %arg6[%add3A_136, %dma_start3A_142] : memref<800000x128xf32, #tpu.memory_space<hbm>> -> memref<40x128xf32, #tpu.memory_space<hbm>>
    %dma_start3A_144 = arith.constant 0 : i32
    %dma_start3A_145 = arith.constant 0 : i32
    %dma_start3A_146 = tpu.memref_slice %arg10[%dma_start3A_144, %dma_start3A_145] : memref<128x128xf32, #tpu.memory_space<vmem>> -> memref<40x128xf32, #tpu.memory_space<vmem>>
    tpu.enqueue_dma source(%dma_start3A_146 : memref<40x128xf32, #tpu.memory_space<vmem>>) target(%dma_start3A_143 : memref<40x128xf32, #tpu.memory_space<hbm>>) target_semaphore(%arg18 : memref<!tpu.dma_semaphore, #tpu.memory_space<semaphore_mem>>)
    %add3A_147 = arith.constant 24960 : i32
    %add3A_148 = arith.addi %mul3A_2, %add3A_147 : i32
    %dma_start3A_149 = arith.constant 0 : i32
    %dma_start3A_150 = arith.constant 0 : i32
    %dma_start3A_151 = tpu.memref_slice %arg12[%dma_start3A_149, %dma_start3A_150] : memref<128x128xf32, #tpu.memory_space<vmem>> -> memref<40x128xf32, #tpu.memory_space<vmem>>
    %dma_start3A_152 = arith.constant 0 : i32
    %dma_start3A_153 = tpu.memref_slice %arg7[%add3A_148, %dma_start3A_152] : memref<800000x128xf32, #tpu.memory_space<hbm>> -> memref<40x128xf32, #tpu.memory_space<hbm>>
    %dma_start3A_154 = arith.constant 0 : i32
    %dma_start3A_155 = tpu.memref_slice %arg7[%add3A_148, %dma_start3A_154] : memref<800000x128xf32, #tpu.memory_space<hbm>> -> memref<40x128xf32, #tpu.memory_space<hbm>>
    %dma_start3A_156 = arith.constant 0 : i32
    %dma_start3A_157 = arith.constant 0 : i32
    %dma_start3A_158 = tpu.memref_slice %arg12[%dma_start3A_156, %dma_start3A_157] : memref<128x128xf32, #tpu.memory_space<vmem>> -> memref<40x128xf32, #tpu.memory_space<vmem>>
    tpu.enqueue_dma source(%dma_start3A_158 : memref<40x128xf32, #tpu.memory_space<vmem>>) target(%dma_start3A_155 : memref<40x128xf32, #tpu.memory_space<hbm>>) target_semaphore(%arg20 : memref<!tpu.dma_semaphore, #tpu.memory_space<semaphore_mem>>)
    %dma_wait3A_159 = arith.constant 0 : i32
    %dma_wait3A_160 = arith.constant 0 : i32
    %dma_wait3A_161 = tpu.memref_slice %arg10[%dma_wait3A_159, %dma_wait3A_160] : memref<128x128xf32, #tpu.memory_space<vmem>> -> memref<40x128xf32, #tpu.memory_space<vmem>>
    %dma_wait3A_162 = arith.constant 0 : i32
    %dma_wait3A_163 = arith.constant 0 : i32
    %dma_wait3A_164 = tpu.memref_slice %arg4[%dma_wait3A_162, %dma_wait3A_163] : memref<50000x128xf32, #tpu.memory_space<hbm>> -> memref<40x128xf32, #tpu.memory_space<hbm>>
    %dma_wait3A_165 = arith.constant 0 : i32
    %dma_wait3A_166 = arith.constant 0 : i32
    %dma_wait3A_167 = tpu.memref_slice %arg10[%dma_wait3A_165, %dma_wait3A_166] : memref<128x128xf32, #tpu.memory_space<vmem>> -> memref<40x128xf32, #tpu.memory_space<vmem>>
    %dma_wait3A_168 = arith.constant 0 : i32
    %dma_wait3A_169 = arith.constant 0 : i32
    %dma_wait3A_170 = tpu.memref_slice %arg4[%dma_wait3A_168, %dma_wait3A_169] : memref<50000x128xf32, #tpu.memory_space<hbm>> -> memref<40x128xf32, #tpu.memory_space<hbm>>
    tpu.wait_dma2 semaphore(%arg18 : memref<!tpu.dma_semaphore, #tpu.memory_space<semaphore_mem>>) src(%dma_wait3A_170 : memref<40x128xf32, #tpu.memory_space<hbm>>) dst(%dma_wait3A_167 : memref<40x128xf32, #tpu.memory_space<vmem>>)
    %dma_wait3A_171 = arith.constant 0 : i32
    %dma_wait3A_172 = arith.constant 0 : i32
    %dma_wait3A_173 = tpu.memref_slice %arg12[%dma_wait3A_171, %dma_wait3A_172] : memref<128x128xf32, #tpu.memory_space<vmem>> -> memref<40x128xf32, #tpu.memory_space<vmem>>
    %dma_wait3A_174 = arith.constant 0 : i32
    %dma_wait3A_175 = arith.constant 0 : i32
    %dma_wait3A_176 = tpu.memref_slice %arg5[%dma_wait3A_174, %dma_wait3A_175] : memref<50000x128xf32, #tpu.memory_space<hbm>> -> memref<40x128xf32, #tpu.memory_space<hbm>>
    %dma_wait3A_177 = arith.constant 0 : i32
    %dma_wait3A_178 = arith.constant 0 : i32
    %dma_wait3A_179 = tpu.memref_slice %arg12[%dma_wait3A_177, %dma_wait3A_178] : memref<128x128xf32, #tpu.memory_space<vmem>> -> memref<40x128xf32, #tpu.memory_space<vmem>>
    %dma_wait3A_180 = arith.constant 0 : i32
    %dma_wait3A_181 = arith.constant 0 : i32
    %dma_wait3A_182 = tpu.memref_slice %arg5[%dma_wait3A_180, %dma_wait3A_181] : memref<50000x128xf32, #tpu.memory_space<hbm>> -> memref<40x128xf32, #tpu.memory_space<hbm>>
    tpu.wait_dma2 semaphore(%arg20 : memref<!tpu.dma_semaphore, #tpu.memory_space<semaphore_mem>>) src(%dma_wait3A_182 : memref<40x128xf32, #tpu.memory_space<hbm>>) dst(%dma_wait3A_179 : memref<40x128xf32, #tpu.memory_space<vmem>>)
    return
  }
}

</mosaic_0001>

<sc_bundles>
// kernel: _sc_gather2.3.cloned.1.call-start
scs
__scs_entry_jumppad:
0x0: {  	(pc) =	sbr.rel $0x88, $3  }
0x1: {  	(tag) =	ssettag $0x0;
	lr =	simm.s32 $0x1  }
0x2: {  	[smem:$0x3F9D] =	sst lr;
	_ =	strace $0xD0000000  }
0x3: {  	_ = 	snop  }
0x4: {  	_ = 	snop  }
0x5: {  	_ = 	snop  }
0x6: {  	_ = 	snop  }
0x7: {  	_ = 	snop  }
__scs_overlays_trampoline_lowered:
0x8: {  	[smem:$0x3FAC] =	sst s0  }
0x9: {  	[smem:$0x3FAD] =	sst s1  }
0xa: {  	[smem:$0x3FAE] =	sst s2  }
0xb: {  	[smem:$0x3FAF] =	sst s3  }
0xc: {  	[smem:$0x3FB0] =	sst s4  }
0xd: {  	[smem:$0x3FB1] =	sst s5  }
0xe: {  	[smem:$0x3FB2] =	sst s6  }
0xf: {  	[smem:$0x3FB3] =	sst s7  }
0x10: {  	[smem:$0x3FB4] =	sst s8  }
0x11: {  	[smem:$0x3FB5] =	sst s9;
	s0 =	simm.s32 @!p0 $0x0  }
0x12: {  	s1 =	sld [smem:$0x3F9B];
	s0 =	simm.s32 @p0 $0x1  }
0x13: {  	[smem:$0x3FB6] =	sst s0;
	s0 =	simm.s32 @!p1 $0x0  }
0x14: {  	s2 =	sld [smem:$0x3F9A];
	s0 =	simm.s32 @p1 $0x1  }
0x15: {  	[smem:$0x3FB7] =	sst s0;
	s0 =	simm.s32 @!p2 $0x0  }
0x16: {  	s3 =	sld [smem:$0x3FDB];
	s0 =	simm.s32 @p2 $0x1  }
0x17: {  	s4 =	simm.s32 $0x1BF5;
	[smem:$0x3FB9] =	sst s0  }
0x18: {  	s0 =	sld [smem:$0x3F9C];
	_ =	swait.ge [sflag:s4], $0x0  }
0x19: {  	s7 =	sld [smem:$0x3F9D]  }
0x1a: {  	s8 =	sadd.s32 $0xFFFFE003, lr  }
0x1b: {  	s9 =	sadd.s32 $0xFFFFFEF7, lr;
	s5 =	simm.s32 $0xFFFFFFFF;
	p2 =	slt.u32 s8, $0xFFFFF086  }
0x1c: {  	p1 =	slt.u32 s9, $0xF7A;
	s5 =	simm.s32 @!p2 $0x0  }
0x1d: {  	s5 =	simm.s32 @p1 $0x1;
	p0 =	seq.s32 s7, s2  }
0x1e: {  	s7 =	smul.u32 @!p0 $0xF7A, s2;
	p2 =	seq.s32 @!p0 s5, $0x0  }
0x1f: {  	s9 =	smul.u32 $0xF7A, s1;
	s8 =	simm.s32 @!p0 $0x1BF5;
	p2 =	por !p2, p0  }
0x20: {  	[sflag:s8] =	ssyncset.s32 @!p0 $0xFFFFF086;
	s6 =	sadd.s32 @!p0 s3, s7;
	s7 =	simm.s32 @!p0 $0x108  }
0x21: {  	s3 =	sadd.s32 s3, s9;
	s6 =	sadd.s32 @!p0 $0x88, s6;
	s7 =	simm.s32 @p2 $0x1082  }
0x22: {  	[simem:s7], [sflag:s8] =	dma.local @!p0 [hbm:s6], $0xF7A  }
0x23: {  	s9 =	sor.u32 $0xD0000000, s2;
	s6 =	simm.s32 $0x108;
	_ =	swait.ge @!p0 [sflag:s8], $0x0  }
0x24: {  	s3 =	sadd.s32 $0x88, s3;
	s6 =	simm.s32 @!p1 $0x1082;
	[sflag:s4] =	ssyncset.s32 $0xFFFFF086  }
0x25: {  	[simem:s6], [sflag:s4] =	dma.local [hbm:s3], $0xF7A  }
0x26: {  	[smem:$0x3F9D] =	sst s1;
	(tag) =	ssettag s2;
	_ =	strace s9  }
0x27: {  	s1 =	sld [smem:$0x3FAD]  }
0x28: {  	s2 =	sld [smem:$0x3FAE]  }
0x29: {  	s4 =	sld [smem:$0x3FB0]  }
0x2a: {  	p0 =	seq.s32 s5, $0x0;
	s5 =	sld [smem:$0x3FB1]  }
0x2b: {  	s6 =	sld [smem:$0x3FB2]  }
0x2c: {  	s7 =	sld [smem:$0x3FB3]  }
0x2d: {  	s3 =	simm.s32 $0x108;
	s8 =	sld [smem:$0x3FB4]  }
0x2e: {  	s3 =	simm.s32 @!p0 $0x1082;
	s9 =	sld [smem:$0x3FB5]  }
0x2f: {  	lr =	sadd.s32 s0, s3;
	s0 =	sld [smem:$0x3FAC]  }
0x30: {  	s3 =	sld [smem:$0x3FAF]  }
0x31: {  	[smem:$0x3FB8] =	sst s10  }
0x32: {  	s10 =	sld [smem:$0x3FB6];
	_ =	sdelay $0x3  }
0x33: {  	p0 =	seq.s32 s10, $0x1;
	s10 =	sld [smem:$0x3FB8];
	_ =	sdelay $0x3  }
0x34: {  	[smem:$0x3FB8] =	sst s10  }
0x35: {  	s10 =	sld [smem:$0x3FB7];
	_ =	sdelay $0x3  }
0x36: {  	p1 =	seq.s32 s10, $0x1;
	s10 =	sld [smem:$0x3FB8];
	_ =	sdelay $0x3  }
0x37: {  	[smem:$0x3FB8] =	sst s10  }
0x38: {  	s10 =	sld [smem:$0x3FB9]  }
0x39: {  	_ = 	snop;
	(pc) =	sbr.ind lr, $3  }
0x3a: {  	_ = 	snop  }
0x3b: {  	_ = 	snop  }
0x3c: {  	p2 =	seq.s32 s10, $0x1;
	s10 =	sld [smem:$0x3FB8]  }
0x3d: {  	_ =	shalt  }
0x3e: {  	_ =	shalt  }
0x3f: {  	_ =	shalt  }
0x40: {  	_ =	shalt  }
0x41: {  	_ =	shalt  }
0x42: {  	_ =	shalt  }
0x43: {  	_ =	shalt  }
0x44: {  	_ =	shalt  }
0x45: {  	_ =	shalt  }
0x46: {  	_ =	shalt  }
0x47: {  	_ =	shalt  }
0x48: {  	_ =	shalt  }
0x49: {  	_ =	shalt  }
0x4a: {  	_ =	shalt  }
0x4b: {  	_ =	shalt  }
0x4c: {  	_ =	shalt  }
0x4d: {  	_ =	shalt  }
0x4e: {  	_ =	shalt  }
0x4f: {  	_ =	shalt  }
0x50: {  	_ =	shalt  }
0x51: {  	_ =	shalt  }
0x52: {  	_ =	shalt  }
0x53: {  	_ =	shalt  }
0x54: {  	_ =	shalt  }
0x55: {  	_ =	shalt  }
0x56: {  	_ =	shalt  }
0x57: {  	_ =	shalt  }
0x58: {  	_ =	shalt  }
0x59: {  	_ =	shalt  }
0x5a: {  	_ =	shalt  }
0x5b: {  	_ =	shalt  }
0x5c: {  	_ =	shalt  }
0x5d: {  	_ =	shalt  }
0x5e: {  	_ =	shalt  }
0x5f: {  	_ =	shalt  }
0x60: {  	_ =	shalt  }
0x61: {  	_ =	shalt  }
0x62: {  	_ =	shalt  }
0x63: {  	_ =	shalt  }
0x64: {  	_ =	shalt  }
0x65: {  	_ =	shalt  }
0x66: {  	_ =	shalt  }
0x67: {  	_ =	shalt  }
0x68: {  	_ =	shalt  }
0x69: {  	_ =	shalt  }
0x6a: {  	_ =	shalt  }
0x6b: {  	_ =	shalt  }
0x6c: {  	_ =	shalt  }
0x6d: {  	_ =	shalt  }
0x6e: {  	_ =	shalt  }
0x6f: {  	_ =	shalt  }
0x70: {  	_ =	shalt  }
0x71: {  	_ =	shalt  }
0x72: {  	_ =	shalt  }
0x73: {  	_ =	shalt  }
0x74: {  	_ =	shalt  }
0x75: {  	_ =	shalt  }
0x76: {  	_ =	shalt  }
0x77: {  	_ =	shalt  }
0x78: {  	_ =	shalt  }
0x79: {  	_ =	shalt  }
0x7a: {  	_ =	shalt  }
0x7b: {  	_ =	shalt  }
0x7c: {  	_ =	shalt  }
0x7d: {  	_ =	shalt  }
0x7e: {  	_ =	shalt  }
0x7f: {  	_ =	shalt  }
0x80: {  	_ =	shalt  }
0x81: {  	_ =	shalt  }
0x82: {  	_ =	shalt  }
0x83: {  	_ =	shalt  }
0x84: {  	_ =	shalt  }
0x85: {  	_ =	shalt  }
0x86: {  	_ =	shalt  }
0x87: {  	_ =	shalt  }
.Lfunc_end0:
.L_simem_size_0:
called_computation_lowered:
.L_overlay_start_0:
0x88: {  	s2 =	sld [smem:$0x3FD9]  }
0x89: {  	s3 =	sld [smem:$0x3FFE];
	_ =	sdelay $0x1  }
0x8a: {  	s1 =	srdreg.scid  }
0x8b: {  	s0 =	sand.u32 $0x1, s1  }
0x8c: {  	s15 =	sshll.u32 s0, $0xA;
	s2 =	sadd.s32 s3, s2  }
0x8d: {  	s2 =	sadd.s32 s2, s15  }
0x8e: {  	[smem:$0x3FC4] =	sst s2  }
0x8f: {  	_ = 	snop  }
0x90: {  	s2 =	sld [smem:$0x3FC9]  }
0x91: {  	s16 =	sld [smem:$0x3FD0]  }
0x92: {  	s4 =	sld [smem:$0x3FC8]  }
0x93: {  	s5 =	sld [smem:$0x3FC7]  }
0x94: {  	s7 =	simm.s32 $0xA;
	s8 =	simm.s32 $0x10;
	s6 =	sld [smem:$0x3FC6]  }
0x95: {  	[smem:s8], [sflag:s7] =	dma.local [hbm:s16], $0x1  }
0x96: {  	_ =	swait.eq [sflag:s7], $0x1  }
0x97: {  	[sflag:s7] =	ssyncset.done $0x0  }
0x98: {  	s17 =	sld [smem:$0x10];
	[sflag:s7] =	ssyncadd.s32 $0xFFFFFFFF  }
0x99: {  	s18 =	sld [smem:$0x11];
	(tm) =	ssettm $0x1  }
0x9a: {  	s19 =	sld [smem:$0x3FFB];
	_ =	sdelay $0x3  }
0x9b: {  	_ =	strace s19  }
0x9c: {  	s8 =	sld [smem:$0x3FFC];
	_ =	sdelay $0x3  }
0x9d: {  	_ =	strace s8  }
0x9e: {  	s8 =	sld [smem:$0x3FFD];
	_ =	sdelay $0x3  }
0x9f: {  	_ =	strace s8  }
0xa0: {  	_ =	strace $0x8FFFFFFF  }
0xa1: {  	s20 =	sld [smem:$0x3FDB];
	_ =	sdelay $0x1  }
0xa2: {  	s9 =	simm.s32 $_scs_section_size  }
0xa3: {  	s10 =	simm.s32 $_size__tile_overlayer_lowered;
	s11 =	simm.s32 $_tile_overlayer_lowered  }
0xa4: {  	s23 =	simm.s32 $0x1BFF;
	s22 =	sshll.u32 s11, $0x1;
	s8 =	sadd.s32 s9, s20  }
0xa5: {  	s12 =	simm.s32 $0x0;
	s21 =	sshll.u32 s10, $0x1;
	s10 =	sadd.s32 s22, s8  }
0xa6: {  	[timem:s12], [sflag:s23] =	dma.local [hbm:s10], s21  }
0xa7: {  	_ =	swait.ge [sflag:s23], s21  }
0xa8: {  	s9 =	ssub.s32 $0x0, s21;
	[sflag:s23] =	ssyncset.done $0x0  }
0xa9: {  	[sflag:s23] =	ssyncadd.s32 s9;
	_ =	sdelay $0x1  }
0xaa: {  	s24 =	simm.s32 $0x1B8B  }
0xab: {  	_ =	swait.ge [sflag:s24], $0x1  }
0xac: {  	[sflag:s24] =	ssyncset.done $0x0  }
0xad: {  	s25 =	simm.s32 $0x1B8E;
	[sflag:s24] =	ssyncadd.s32 $0xFFFFFFFF  }
0xae: {  	s26 =	simm.s32 $execute0_lowered;
	[smem:$0x3FD2] =	sst s25  }
0xaf: {  	s9 =	sshll.u32 s26, $0x1;
	_ =	strace $0x80000046;
	[dreg:$0x1] =	wrdreg $0xFFFFFFFF  }
0xb0: {  	s28 =	simm.s32 $_size_execute0_lowered;
	s8 =	sadd.s32 s8, s9;
	[dreg:$0x0] =	wrdreg $0x0  }
0xb1: {  	s9 =	sshll.u32 s28, $0x1;
	[dreg:$0x2] =	wrdreg s8  }
0xb2: {  	[dreg:$0x3] =	wrdreg s9  }
0xb3: {  	[dreg:$0x4] =	wrdreg $0xC0  }
0xb4: {  	_ =	task [dreg:s12], $0x5FFFF  }
0xb5: {  	[dreg:$0x1] =	wrdreg $0xFFFFFFFF  }
0xb6: {  	[dreg:$0x0] =	wrdreg $0x60  }
0xb7: {  	[dreg:$0x2] =	wrdreg s2  }
0xb8: {  	[dreg:$0x3] =	wrdreg s4  }
0xb9: {  	[dreg:$0x4] =	wrdreg s5  }
0xba: {  	[dreg:$0x5] =	wrdreg s6  }
0xbb: {  	[dreg:$0x6] =	wrdreg s17  }
0xbc: {  	[dreg:$0x7] =	wrdreg s18  }
0xbd: {  	[dreg:$0x8] =	wrdreg $0x9  }
0xbe: {  	_ =	task.clear_ibuf [dreg:s12], $0x9FFFF;
	_ =	strace $0x90000046  }
0xbf: {  	s29 =	simm.s32 $0x9;
	_ =	strace $0x80000048  }
0xc0: {  	_ =	swait.ge [sflag:s29], $0x1  }
0xc1: {  	[sflag:s29] =	ssyncadd.s32 $0xFFFFFFFF  }
0xc2: {  	_ =	strace $0x90000048  }
0xc3: {  	_ =	sfence  }
0xc4: {  	s30 =	sld [smem:$0x0];
	_ =	sdelay $0x2  }
0xc5: {  	s31 =	sshll.u32 s1, $0xD;
	s1 =	sshrl.u32 s1, $0x2  }
0xc6: {  	s3 =	sand.u32 $0x4000, s31;
	s1 =	sadd.s32 s1, s30  }
0xc7: {  	s0 =	sor.u32 s3, s0;
	s1 =	sshll.u32 s1, $0x11  }
0xc8: {  	s0 =	sor.u32 s1, s0  }
0xc9: {  	s0 =	sadd.s32 $0x8F2B, s0  }
0xca: {  	[sflag:s0] =	ssyncadd.remote.s32 $0x1  }
0xcb: {  	_ =	sfence.sel $0xFFFF  }
0xcc: {  	[dreg:$0x0] =	wrdreg $0xFFFFFFFF;
	(pc) =	sbr.abs _section_cstart, $3  }
0xcd: {  	[dreg:$0x1] =	wrdreg $0xFFFFFFFF  }
0xce: {  	_ =	task.clear_ibuf [dreg:s12], $0x2FFFF;
	_ =	strace $0x9FFFFFFF  }
0xcf: {  	(tm) =	ssettm $0x7FFFFFFF  }
tec
execute0_lowered:
.L_overlay_start_1:
0x0: {  	(tag) =	ssettag $0x1  }
0x1: {  	s0 =	rddreg [dreg:$0x0]  }
0x2: {  	s3 =	rddreg [dreg:$0x1]  }
0x3: {  	s1 =	rddreg [dreg:$0x2]  }
0x4: {  	s2 =	rddreg [dreg:$0x3]  }
0x5: {  	s5 =	rddreg [dreg:$0x4];
	s4 =	srdreg.scid  }
0x6: {  	s13 =	stileid.u32;
	s6 =	rddreg [dreg:$0x5];
	s15 =	simm.s32 $0x9  }
0x7: {  	s28 =	simm.s32 $0x4;
	s29 =	simm.s32 $0x6;
	s17 =	smul.u32 $0x61A800, s13  }
0x8: {  	s8 =	sand.u32 $0x1, s4;
	s7 =	sshll.u32 s13, $0x1;
	s13 =	smul.u32 $0xC350, s13  }
0x9: {  	s30 =	simm.s32 $0x8;
	s31 =	simm.s32 $0x28;
	s12 =	smul.u32 $0x30D400, s8  }
0xa: {  	s4 =	simm.s32 $0x0;
	s7 =	sor.u32 s8, s7;
	s14 =	smul.u32 $0x61A8, s8  }
0xb: {  	[smem:$0x7FF] =	sst s4;
	s9 =	ssub.s32 $0x2, s8;
	s10 =	smul.u32 $0x61A8, s7  }
0xc: {  	_ =	strace $0x80000047;
	s11 =	sshrl.u32 s9, $0x1;
	s7 =	smul.u32 $0x30D400, s7  }
0xd: {  	s11 =	ssub.s32 s9, s11;
	s22 =	sadd.s32 s12, s17;
	s24 =	sadd.s32 s14, s13  }
0xe: {  	s17 =	simm.s32 $0xC350;
	s16 =	sshrl.u32 s10, $0x3;
	s18 =	sshrl.u32 s7, $0x3  }
0xf: {  	s23 =	sshrl.u32 s22, $0x3;
	s11 =	smax.u32 s11, $0x1;
	s22 =	simm.s32 $0x1  }
0x10: {  	s0 =	sadd.s32 s0, s16;
	s3 =	sadd.s32 s3, s16;
	s19 =	sadd.s32 $0x61000, s18  }
0x11: {  	s25 =	sadd.s32 s23, s6;
	s12 =	sadd.s32 s23, s5;
	[dreg:$0x8] =	wrdreg s0  }
0x12: {  	s16 =	simm.s32 $0x61A8;
	s23 =	simm.s32 $0x3;
	[dreg:$0x9] =	wrdreg s3  }
0x13: {  	s20 =	sadd.s32 s5, s19;
	s0 =	sadd.s32 $0x61800, s18;
	[dreg:$0x7] =	wrdreg s25  }
0x14: {  	s3 =	sadd.s32 s6, s19;
	s18 =	simm.s32 $0x14350;
	[dreg:$0xa] =	wrdreg s20  }
0x15: {  	s19 =	simm.s32 $0x80;
	s25 =	simm.s32 $0x7;
	[dreg:$0xb] =	wrdreg s3  }
0x16: {  	s21 =	sadd.s32 s5, s0;
	s10 =	sadd.s32 s6, s0;
	s3 =	sshll.u32 s24, $0x4  }
0x17: {  	s20 =	simm.s32 $0x10350;
	s24 =	simm.s32 $0x5;
	[dreg:$0xc] =	wrdreg s21  }
0x18: {  	s26 =	sadd.s32 $0x800, s3;
	s21 =	simm.s32 $0x18350;
	s3 =	simm.s32 $0x0  }
0x19: {  	s13 =	sadd.s32 s26, s5;
	s14 =	sadd.s32 s26, s6;
	s26 =	simm.s32 $0x2  }
.LBB2_1:
0x1a: {  	s0 =	rddreg [dreg:$0x8]  }
0x1b: {  	[tilespmem:s4], [sflag:$0x9] =	stream.linear.gather [hbm4b:s0+s4], $0x61A8, $0x38;
	[tilespmem:$0x1C350] =	vst v63  }
0x1c: {  	_ =	swait.ge [sflag:s15], $0x61A8  }
0x1d: {  	[sflag:s15] =	ssyncset.done $0x0  }
0x1e: {  	s5 =	rddreg [dreg:$0x9];
	[sflag:s15] =	ssyncadd.s32 $0xFFFF9E58  }
0x1f: {  	[tilespmem:s16], [sflag:$0x9] =	stream.linear.gather [hbm4b:s5+s4], $0x61A8, $0x38;
	[tilespmem:$0x1C350] =	vst v63  }
0x20: {  	_ =	swait.ge [sflag:s15], $0x61A8  }
0x21: {  	[sflag:s15] =	ssyncset.done $0x0  }
0x22: {  	[sflag:s15] =	ssyncadd.s32 $0xFFFF9E58  }
0x23: {  	[tilespmem:s17], [sflag:$0x1] =	stream.indirect.gather [hbm4b:s1+s19], $0x80, s4, s19, $0xb8;
	[tilespmem:$0x1C350] =	vst v63  }
0x24: {  	_ = 	snop  }
0x25: {  	[tilespmem:s18], [sflag:$0x3] =	stream.indirect.gather [hbm4b:s2+s19], $0x80, s16, s19, $0xb8;
	[tilespmem:$0x1C350] =	vst v63  }
0x26: {  	_ = 	snop  }
0x27: {  	[tilespmem:s20], [sflag:$0x2] =	stream.indirect.gather [hbm4b:s1+s19], $0x80, s19, s19, $0xb8;
	[tilespmem:$0x1C350] =	vst v63  }
0x28: {  	s0 =	simm.s32 $0x6228  }
0x29: {  	[tilespmem:s21], [sflag:$0x4] =	stream.indirect.gather [hbm4b:s2+s19], $0x80, s0, s19, $0xb8;
	[tilespmem:$0x1C350] =	vst v63  }
0x2a: {  	_ =	swait.ge [sflag:s22], $0x4000  }
0x2b: {  	[sflag:s22] =	ssyncset.done $0x0  }
0x2c: {  	[sflag:s22] =	ssyncadd.s32 $0xFFFFC000  }
0x2d: {  	_ =	swait.ge [sflag:s23], $0x4000  }
0x2e: {  	[sflag:s23] =	ssyncset.done $0x0  }
0x2f: {  	s6 =	sadd.s32 $0x0, s12;
	s5 =	rddreg [dreg:$0x7];
	[sflag:s23] =	ssyncadd.s32 $0xFFFFC000  }
0x30: {  	[hbm4b:s6+s4] =	stream.linear.scatter [tilespmem:s17], [sflag:$0x5], $0x4000, $0x38;
	[tilespmem:$0x1C350] =	vst v63  }
0x31: {  	s5 =	sadd.s32 $0x0, s5  }
0x32: {  	[hbm4b:s5+s4] =	stream.linear.scatter [tilespmem:s18], [sflag:$0x7], $0x4000, $0x38;
	[tilespmem:$0x1C350] =	vst v63  }
0x33: {  	_ =	swait.ge [sflag:s24], $0x4000  }
0x34: {  	[sflag:s24] =	ssyncset.done $0x0  }
0x35: {  	[sflag:s24] =	ssyncadd.s32 $0xFFFFC000  }
0x36: {  	_ =	swait.ge [sflag:s25], $0x4000  }
0x37: {  	[sflag:s25] =	ssyncset.done $0x0  }
0x38: {  	s6 =	simm.s32 $0x100;
	[sflag:s25] =	ssyncadd.s32 $0xFFFFC000  }
0x39: {  	[tilespmem:s17], [sflag:$0x1] =	stream.indirect.gather [hbm4b:s1+s19], $0x80, s6, s19, $0xb8;
	[tilespmem:$0x1C350] =	vst v63  }
0x3a: {  	s7 =	simm.s32 $0x62A8  }
0x3b: {  	[tilespmem:s18], [sflag:$0x3] =	stream.indirect.gather [hbm4b:s2+s19], $0x80, s7, s19, $0xb8;
	[tilespmem:$0x1C350] =	vst v63  }
0x3c: {  	_ =	swait.ge [sflag:s26], $0x4000  }
0x3d: {  	[sflag:s26] =	ssyncset.done $0x0  }
0x3e: {  	[sflag:s26] =	ssyncadd.s32 $0xFFFFC000  }
0x3f: {  	_ =	swait.ge [sflag:s28], $0x4000  }
0x40: {  	[sflag:s28] =	ssyncset.done $0x0  }
0x41: {  	s8 =	sadd.s32 $0x0, s13;
	[sflag:s28] =	ssyncadd.s32 $0xFFFFC000  }
0x42: {  	[hbm4b:s8+s4] =	stream.linear.scatter [tilespmem:s20], [sflag:$0x6], $0x4000, $0x38;
	[tilespmem:$0x1C350] =	vst v63  }
0x43: {  	s9 =	sadd.s32 $0x0, s14  }
0x44: {  	[hbm4b:s9+s4] =	stream.linear.scatter [tilespmem:s21], [sflag:$0x8], $0x4000, $0x38;
	[tilespmem:$0x1C350] =	vst v63  }
0x45: {  	_ =	swait.ge [sflag:s29], $0x4000  }
0x46: {  	[sflag:s29] =	ssyncset.done $0x0  }
0x47: {  	[sflag:s29] =	ssyncadd.s32 $0xFFFFC000  }
0x48: {  	_ =	swait.ge [sflag:s30], $0x4000  }
0x49: {  	s5 =	simm.s32 $0x1000;
	s6 =	simm.s32 $0x80;
	[sflag:s30] =	ssyncset.done $0x0  }
.LBB2_2:
0x4a: {  	[sflag:s30] =	ssyncadd.s32 $0xFFFFC000;
	s6 =	sadd.s32 $0x100, s6  }
0x4b: {  	[tilespmem:s20], [sflag:$0x2] =	stream.indirect.gather [hbm4b:s1+s19], $0x80, s6, s19, $0xb8;
	[tilespmem:$0x1C350] =	vst v63  }
0x4c: {  	s0 =	sadd.s32 $0x100, s0  }
0x4d: {  	[tilespmem:s21], [sflag:$0x4] =	stream.indirect.gather [hbm4b:s2+s19], $0x80, s0, s19, $0xb8;
	[tilespmem:$0x1C350] =	vst v63  }
0x4e: {  	_ =	swait.ge [sflag:s22], $0x4000  }
0x4f: {  	[sflag:s22] =	ssyncset.done $0x0  }
0x50: {  	[sflag:s22] =	ssyncadd.s32 $0xFFFFC000  }
0x51: {  	_ =	swait.ge [sflag:s23], $0x4000  }
0x52: {  	s7 =	smov.u32 s5;
	[sflag:s23] =	ssyncset.done $0x0  }
0x53: {  	s9 =	sadd.s32 s7, s12;
	s8 =	rddreg [dreg:$0x7];
	[sflag:s23] =	ssyncadd.s32 $0xFFFFC000  }
0x54: {  	[hbm4b:s9+s4] =	stream.linear.scatter [tilespmem:s17], [sflag:$0x5], $0x4000, $0x38;
	[tilespmem:$0x1C350] =	vst v63  }
0x55: {  	s8 =	sadd.s32 s7, s8  }
0x56: {  	[hbm4b:s8+s4] =	stream.linear.scatter [tilespmem:s18], [sflag:$0x7], $0x4000, $0x38;
	[tilespmem:$0x1C350] =	vst v63  }
0x57: {  	_ =	swait.ge [sflag:s24], $0x4000  }
0x58: {  	[sflag:s24] =	ssyncset.done $0x0  }
0x59: {  	[sflag:s24] =	ssyncadd.s32 $0xFFFFC000  }
0x5a: {  	_ =	swait.ge [sflag:s25], $0x4000  }
0x5b: {  	[sflag:s25] =	ssyncset.done $0x0  }
0x5c: {  	s9 =	sadd.s32 $0x80, s6;
	[sflag:s25] =	ssyncadd.s32 $0xFFFFC000  }
0x5d: {  	[tilespmem:s17], [sflag:$0x1] =	stream.indirect.gather [hbm4b:s1+s19], $0x80, s9, s19, $0xb8;
	[tilespmem:$0x1C350] =	vst v63  }
0x5e: {  	s9 =	sadd.s32 $0x80, s0  }
0x5f: {  	[tilespmem:s18], [sflag:$0x3] =	stream.indirect.gather [hbm4b:s2+s19], $0x80, s9, s19, $0xb8;
	[tilespmem:$0x1C350] =	vst v63  }
0x60: {  	_ =	swait.ge [sflag:s26], $0x4000  }
0x61: {  	[sflag:s26] =	ssyncset.done $0x0  }
0x62: {  	[sflag:s26] =	ssyncadd.s32 $0xFFFFC000  }
0x63: {  	_ =	swait.ge [sflag:s28], $0x4000  }
0x64: {  	[sflag:s28] =	ssyncset.done $0x0  }
0x65: {  	s9 =	sadd.s32 s7, s13;
	[sflag:s28] =	ssyncadd.s32 $0xFFFFC000  }
0x66: {  	[hbm4b:s9+s4] =	stream.linear.scatter [tilespmem:s20], [sflag:$0x6], $0x4000, $0x38;
	[tilespmem:$0x1C350] =	vst v63  }
0x67: {  	p0 =	sne.s32 s5, $0x60000;
	s7 =	sadd.s32 s7, s14  }
0x68: {  	[hbm4b:s7+s4] =	stream.linear.scatter [tilespmem:s21], [sflag:$0x8], $0x4000, $0x38;
	[tilespmem:$0x1C350] =	vst v63  }
.Ltmp0:
0x69: {  	_ =	swait.ge [sflag:s29], $0x4000;
	(pc) =	sbr.rel @p0 .LBB2_2-.Ltmp0, $4  }
0x6a: {  	[sflag:s29] =	ssyncset.done $0x0  }
0x6b: {  	[sflag:s29] =	ssyncadd.s32 $0xFFFFC000  }
0x6c: {  	_ =	swait.ge [sflag:s30], $0x4000  }
0x6d: {  	s5 =	sadd.s32 $0x1000, s5;
	[sflag:s30] =	ssyncset.done $0x0  }
0x6e: {  	[sflag:s30] =	ssyncadd.s32 $0xFFFFC000  }
0x6f: {  	_ =	swait.ge [sflag:s22], $0x4000  }
0x70: {  	[sflag:s22] =	ssyncset.done $0x0  }
0x71: {  	[sflag:s22] =	ssyncadd.s32 $0xFFFFC000  }
0x72: {  	_ =	swait.ge [sflag:s23], $0x4000  }
0x73: {  	[sflag:s23] =	ssyncset.done $0x0  }
0x74: {  	s0 =	rddreg [dreg:$0xa];
	[sflag:s23] =	ssyncadd.s32 $0xFFFFC000  }
0x75: {  	[hbm4b:s0+s4] =	stream.linear.scatter [tilespmem:s17], [sflag:$0x5], $0x4000, $0x38;
	[tilespmem:$0x1C350] =	vst v63  }
0x76: {  	s6 =	rddreg [dreg:$0xb]  }
0x77: {  	[hbm4b:s6+s4] =	stream.linear.scatter [tilespmem:s18], [sflag:$0x7], $0x4000, $0x38;
	[tilespmem:$0x1C350] =	vst v63  }
0x78: {  	_ =	swait.ge [sflag:s24], $0x4000  }
0x79: {  	[sflag:s24] =	ssyncset.done $0x0  }
0x7a: {  	[sflag:s24] =	ssyncadd.s32 $0xFFFFC000  }
0x7b: {  	_ =	swait.ge [sflag:s25], $0x4000  }
0x7c: {  	[sflag:s25] =	ssyncset.done $0x0  }
0x7d: {  	s7 =	simm.s32 $0x6180;
	[sflag:s25] =	ssyncadd.s32 $0xFFFFC000  }
0x7e: {  	[tilespmem:s17], [sflag:$0x1] =	stream.indirect.gather [hbm4b:s1+s31], $0x80, s7, s31, $0xb8;
	[tilespmem:$0x1C350] =	vst v63  }
0x7f: {  	s8 =	simm.s32 $0xC328  }
0x80: {  	[tilespmem:s18], [sflag:$0x3] =	stream.indirect.gather [hbm4b:s2+s31], $0x80, s8, s31, $0xb8;
	[tilespmem:$0x1C350] =	vst v63  }
0x81: {  	_ =	swait.ge [sflag:s22], $0x1400  }
0x82: {  	[sflag:s22] =	ssyncset.done $0x0  }
0x83: {  	[sflag:s22] =	ssyncadd.s32 $0xFFFFEC00  }
0x84: {  	_ =	swait.ge [sflag:s23], $0x1400  }
0x85: {  	[sflag:s23] =	ssyncset.done $0x0  }
0x86: {  	s9 =	rddreg [dreg:$0xc];
	[sflag:s23] =	ssyncadd.s32 $0xFFFFEC00  }
0x87: {  	[hbm4b:s9+s4] =	stream.linear.scatter [tilespmem:s17], [sflag:$0x5], $0x1400, $0x38;
	[tilespmem:$0x1C350] =	vst v63  }
0x88: {  	s3 =	sadd.s32 $0x1, s3  }
0x89: {  	[hbm4b:s10+s4] =	stream.linear.scatter [tilespmem:s18], [sflag:$0x7], $0x1400, $0x38;
	[tilespmem:$0x1C350] =	vst v63  }
0x8a: {  	p0 =	sne.s32 s3, s11;
	_ =	swait.ge [sflag:s24], $0x1400  }
.Ltmp1:
0x8b: {  	[sflag:s24] =	ssyncset.done $0x0;
	(pc) =	sbr.rel @p0 .LBB2_1-.Ltmp1, $4  }
0x8c: {  	[sflag:s24] =	ssyncadd.s32 $0xFFFFEC00  }
0x8d: {  	_ =	swait.ge [sflag:s25], $0x1400  }
0x8e: {  	[sflag:s25] =	ssyncset.done $0x0  }
0x8f: {  	[sflag:s25] =	ssyncadd.s32 $0xFFFFEC00  }
0x90: {  	_ =	sfence.sel $0x180000  }
0x91: {  	[bflag:$0x0] =	sbarrier.arrive $0xFFFF  }
0x92: {  	_ =	strace $0x90000047  }
0x93: {  	s0 =	stileid.u32;
	[bflag:$0x2] =	sbarrier.arrive $0xFFFF  }
0x94: {  	p0 =	sne.s32 s0, $0x0;
	s0 =	rddreg [dreg:$0x6]  }
0x95: {  	s0 =	sadd.s32 @!p0 $0x100000, s0  }
0x96: {  	[sflag:s0] =	ssyncadd.tile.s32 @!p0 $0x1;
	_ =	shalt  }
.Lfunc_end2:
_tile_overlayer_lowered:
.L_overlay_start_2:
0x97: {  	(tag) =	ssettag $0x2  }
0x98: {  	s0 =	rddreg [dreg:$0x0];
	s2 =	stileid.u32  }
0x99: {  	s1 =	rddreg [dreg:$0x1];
	p0 =	sne.s32 s2, $0x0  }
0x9a: {  	s3 =	rddreg [dreg:$0x2];
	[bflag:$0x3] =	sbarrier.arrive $0xFFFF;
	s2 =	simm.s32 @!p0 $0x1C09  }
0x9b: {  	[timem:s3], [sflag:s2] =	dma.local @!p0 [hbm:s0], s1  }
0x9c: {  	s0 =	simm.s32 @!p0 $0x9  }
0x9d: {  	_ =	swait.ge @!p0 [sflag:s0], s1  }
0x9e: {  	s1 =	ssub.s32 @!p0 $0x0, s1;
	[sflag:s0] =	ssyncset.done @!p0 $0x0  }
0x9f: {  	[sflag:s0] =	ssyncadd.s32 @!p0 s1  }
0xa0: {  	[bflag:$0x3] =	sbarrier.arrive $0xFFFF  }
0xa1: {  	_ =	shalt  }

</sc_bundles>
